<compile_context>
chip_gen: v7x
topology: tpu7x:2x2x1
jax: 0.10.2.dev20260603
libtpu: 0.0.44.dev20260713+nightly
codegen_flags: <defaults>
</compile_context>

<pallas_src>
import jax
import jax.numpy as jnp
from jax import lax
from jax.experimental import pallas as pl
from jax.experimental.pallas import tpu as pltpu
from jax.experimental.pallas import tpu_sc as plsc

_NC, _NS = 2, 16
_NW = _NC * _NS
_B, _T = 16384, 200
_BW = _B // _NW
_RT = 40
_NST = _T // _RT
_G = _RT * (_BW // 16)


def _psk_body(zt_hbm, ct_hbm, out_hbm, tabc_v, tabs_v,
              z0, z1, o0, o1, si0, si1, so0, so1, tsem):
    wid = lax.axis_index("s") * _NC + lax.axis_index("c")
    b0 = wid * _BW

    zbuf, obuf = (z0, z1), (o0, o1)
    zsem, osem = (si0, si1), (so0, so1)

    def in_copy(si, p):
        return pltpu.make_async_copy(
            zt_hbm.at[pl.ds(si * _RT, _RT), pl.ds(b0, _BW)], zbuf[p], zsem[p])

    def out_copy(si, p):
        return pltpu.make_async_copy(
            obuf[p], out_hbm.at[pl.ds(si * _RT, _RT), pl.ds(8 * wid, 8), :],
            osem[p])

    def compute(p):
        zv_ref, ov_ref = zbuf[p], obuf[p]

        @plsc.parallel_loop(0, _G, unroll=8)
        def _grp(i):
            t2 = i >> 5
            g = i & 31
            zv = zv_ref[t2, pl.ds(g * 16, 16)]
            cv = plsc.load_gather(tabc_v, [zv])
            sv = plsc.load_gather(tabs_v, [zv])
            bt = g >> 3
            j = g & 7
            ov_ref[t2, 2 * bt, pl.ds(j * 16, 16)] = cv
            ov_ref[t2, 2 * bt + 1, pl.ds(j * 16, 16)] = sv

    tabc_cp = pltpu.make_async_copy(ct_hbm.at[0], tabc_v, tsem)
    tabs_cp = pltpu.make_async_copy(ct_hbm.at[1], tabs_v, tsem)
    tabc_cp.start()
    tabs_cp.start()
    in_copy(0, 0).start()
    in_copy(1, 1).start()
    tabc_cp.wait()
    tabs_cp.wait()
    for si in range(_NST):
        p = si % 2
        in_copy(si, p).wait()
        if si >= 2:
            out_copy(si - 2, p).wait()
        compute(p)
        out_copy(si, p).start()
        if si + 2 < _NST:
            in_copy(si + 2, p).start()
    out_copy(_NST - 2, (_NST - 2) % 2).wait()
    out_copy(_NST - 1, (_NST - 1) % 2).wait()


def kernel(z, constellation):
    zt = z.T
    ct = constellation.T
    out3 = pl.kernel(
        _psk_body,
        out_type=jax.ShapeDtypeStruct((_T, 2 * _B // 128, 128), jnp.float32),
        mesh=plsc.VectorSubcoreMesh(
            core_axis_name="c", subcore_axis_name="s",
            num_cores=_NC, num_subcores=_NS,
        ),
        scratch_types=(
            [pltpu.VMEM((16,), jnp.float32)] * 2
            + [pltpu.VMEM((_RT, _BW), jnp.int32)] * 2
            + [pltpu.VMEM((_RT, 8, 128), jnp.float32)] * 2
            + [pltpu.SemaphoreType.DMA] * 5
        ),
        compiler_params=pltpu.CompilerParams(
            needs_layout_passes=False, use_tc_tiling_on_sc=True,
        ),
    )(zt, ct)
    out = out3.reshape(_T, 128, 2, 128).transpose(1, 3, 0, 2).reshape(_B, _T, 2)
    return out

# --- scband reference (transcript-rebuilt; emitter-appended) ---
"""Pipeline reference for scband-psk-9783935500612 (READ-ONLY COPY).

The authoritative reference and input builder live on the scoring server;
editing this copy changes nothing except your own understanding.
"""

import jax, jax.numpy as jnp
import numpy as np

M = 16

def setup_inputs(seed: int = 0) -> dict:
    key = jax.random.key(seed)
    z = jax.random.randint(key, (16384, 200), 0, M, dtype=jnp.int64) if jax.config.jax_enable_x64 else jax.random.randint(key, (16384, 200), 0, M, dtype=jnp.int32)
    ang = jnp.arange(M, dtype=jnp.float32) * 2.0 * jnp.pi / M
    sins = jnp.sin(ang)[:, None]
    coss = jnp.cos(ang)[:, None]
    constellation = jnp.concatenate([coss, sins], axis=1)  # [M, 2]
    return {"z": z, "constellation": constellation}

def reference(z, constellation):
    # PSK.modulate: embedding lookup into the constellation table
    return jnp.take(constellation, z, axis=0)  # [16384, 200, 2]

if __name__ == "__main__":
    import jax
    _d = setup_inputs()
    print(jax.jit(kernel)(*tuple(_d.values())))

</pallas_src>

<mosaic_0001>
#map = affine_map<(d0, d1) -> (0, 0)>
#map1 = affine_map<(d0, d1) -> (0, 0, 0)>
module attributes {stable_mosaic.version = 14 : i64} {
  func.func @_psk_body(%arg0: i32, %arg1: i32, %arg2: memref<200x16384xi32, #tpu.memory_space<hbm>>, %arg3: memref<2x16xf32, #tpu.memory_space<hbm>>, %arg4: memref<200x256x128xf32, #tpu.memory_space<hbm>>, %arg5: memref<16xf32, #tpu.memory_space<vmem>>, %arg6: memref<16xf32, #tpu.memory_space<vmem>>, %arg7: memref<40x512xi32, #tpu.memory_space<vmem>>, %arg8: memref<40x512xi32, #tpu.memory_space<vmem>>, %arg9: memref<40x8x128xf32, #tpu.memory_space<vmem>>, %arg10: memref<40x8x128xf32, #tpu.memory_space<vmem>>, %arg11: memref<!tpu.dma_semaphore, #tpu.memory_space<semaphore_mem>>, %arg12: memref<!tpu.dma_semaphore, #tpu.memory_space<semaphore_mem>>, %arg13: memref<!tpu.dma_semaphore, #tpu.memory_space<semaphore_mem>>, %arg14: memref<!tpu.dma_semaphore, #tpu.memory_space<semaphore_mem>>, %arg15: memref<!tpu.dma_semaphore, #tpu.memory_space<semaphore_mem>>) attributes {dimension_semantics = [#tpu.dimension_semantics<core_parallel>, #tpu.dimension_semantics<subcore_parallel>], iteration_bounds = array<i64: 2, 16>, scalar_prefetch = 0 : i64, scratch_operands = 11 : i64, tpu.core_type = #tpu.core_type<sc_vector_subcore>, window_params = [{transform_indices = #map}, {transform_indices = #map}, {transform_indices = #map1}]} {
    %mul3A = arith.constant 2 : i32
    %mul3A_0 = arith.muli %arg1, %mul3A : i32
    %add3A = arith.addi %mul3A_0, %arg0 : i32
    %mul3A_1 = arith.constant 512 : i32
    %mul3A_2 = arith.muli %add3A, %mul3A_1 : i32
    %dma_start3A = arith.constant 0 : i32
    %dma_start3A_3 = arith.constant 0 : i32
    %dma_start3A_4 = tpu.memref_slice %arg3[%dma_start3A, %dma_start3A_3] : memref<2x16xf32, #tpu.memory_space<hbm>> -> memref<1x16xf32, #tpu.memory_space<hbm>>
    %dma_start3A_5 = tpu.memref_squeeze %dma_start3A_4 : memref<1x16xf32, #tpu.memory_space<hbm>> -> memref<16xf32, #tpu.memory_space<hbm>>
    %dma_start3A_6 = arith.constant 0 : i32
    %dma_start3A_7 = tpu.memref_slice %arg3[%dma_start3A, %dma_start3A_6] : memref<2x16xf32, #tpu.memory_space<hbm>> -> memref<1x16xf32, #tpu.memory_space<hbm>>
    %dma_start3A_8 = tpu.memref_squeeze %dma_start3A_7 : memref<1x16xf32, #tpu.memory_space<hbm>> -> memref<16xf32, #tpu.memory_space<hbm>>
    tpu.enqueue_dma source(%dma_start3A_8 : memref<16xf32, #tpu.memory_space<hbm>>) target(%arg5 : memref<16xf32, #tpu.memory_space<vmem>>) target_semaphore(%arg15 : memref<!tpu.dma_semaphore, #tpu.memory_space<semaphore_mem>>)
    %dma_start3A_9 = arith.constant 1 : i32
    %dma_start3A_10 = arith.constant 0 : i32
    %dma_start3A_11 = tpu.memref_slice %arg3[%dma_start3A_9, %dma_start3A_10] : memref<2x16xf32, #tpu.memory_space<hbm>> -> memref<1x16xf32, #tpu.memory_space<hbm>>
    %dma_start3A_12 = tpu.memref_squeeze %dma_start3A_11 : memref<1x16xf32, #tpu.memory_space<hbm>> -> memref<16xf32, #tpu.memory_space<hbm>>
    %dma_start3A_13 = arith.constant 0 : i32
    %dma_start3A_14 = tpu.memref_slice %arg3[%dma_start3A_9, %dma_start3A_13] : memref<2x16xf32, #tpu.memory_space<hbm>> -> memref<1x16xf32, #tpu.memory_space<hbm>>
    %dma_start3A_15 = tpu.memref_squeeze %dma_start3A_14 : memref<1x16xf32, #tpu.memory_space<hbm>> -> memref<16xf32, #tpu.memory_space<hbm>>
    tpu.enqueue_dma source(%dma_start3A_15 : memref<16xf32, #tpu.memory_space<hbm>>) target(%arg6 : memref<16xf32, #tpu.memory_space<vmem>>) target_semaphore(%arg15 : memref<!tpu.dma_semaphore, #tpu.memory_space<semaphore_mem>>)
    %dma_start3A_16 = arith.constant 0 : i32
    %dma_start3A_17 = tpu.memref_slice %arg2[%dma_start3A_16, %mul3A_2] : memref<200x16384xi32, #tpu.memory_space<hbm>> -> memref<40x512xi32, #tpu.memory_space<hbm>>
    %dma_start3A_18 = arith.constant 0 : i32
    %dma_start3A_19 = tpu.memref_slice %arg2[%dma_start3A_18, %mul3A_2] : memref<200x16384xi32, #tpu.memory_space<hbm>> -> memref<40x512xi32, #tpu.memory_space<hbm>>
    tpu.enqueue_dma source(%dma_start3A_19 : memref<40x512xi32, #tpu.memory_space<hbm>>) target(%arg7 : memref<40x512xi32, #tpu.memory_space<vmem>>) target_semaphore(%arg11 : memref<!tpu.dma_semaphore, #tpu.memory_space<semaphore_mem>>)
    %dma_start3A_20 = arith.constant 40 : i32
    %dma_start3A_21 = tpu.memref_slice %arg2[%dma_start3A_20, %mul3A_2] : memref<200x16384xi32, #tpu.memory_space<hbm>> -> memref<40x512xi32, #tpu.memory_space<hbm>>
    %dma_start3A_22 = arith.constant 40 : i32
    %dma_start3A_23 = tpu.memref_slice %arg2[%dma_start3A_22, %mul3A_2] : memref<200x16384xi32, #tpu.memory_space<hbm>> -> memref<40x512xi32, #tpu.memory_space<hbm>>
    tpu.enqueue_dma source(%dma_start3A_23 : memref<40x512xi32, #tpu.memory_space<hbm>>) target(%arg8 : memref<40x512xi32, #tpu.memory_space<vmem>>) target_semaphore(%arg12 : memref<!tpu.dma_semaphore, #tpu.memory_space<semaphore_mem>>)
    %dma_wait3A = arith.constant 0 : i32
    %dma_wait3A_24 = arith.constant 0 : i32
    %dma_wait3A_25 = tpu.memref_slice %arg3[%dma_wait3A, %dma_wait3A_24] : memref<2x16xf32, #tpu.memory_space<hbm>> -> memref<1x16xf32, #tpu.memory_space<hbm>>
    %dma_wait3A_26 = tpu.memref_squeeze %dma_wait3A_25 : memref<1x16xf32, #tpu.memory_space<hbm>> -> memref<16xf32, #tpu.memory_space<hbm>>
    %dma_wait3A_27 = arith.constant 0 : i32
    %dma_wait3A_28 = tpu.memref_slice %arg3[%dma_wait3A, %dma_wait3A_27] : memref<2x16xf32, #tpu.memory_space<hbm>> -> memref<1x16xf32, #tpu.memory_space<hbm>>
    %dma_wait3A_29 = tpu.memref_squeeze %dma_wait3A_28 : memref<1x16xf32, #tpu.memory_space<hbm>> -> memref<16xf32, #tpu.memory_space<hbm>>
    tpu.wait_dma2 semaphore(%arg15 : memref<!tpu.dma_semaphore, #tpu.memory_space<semaphore_mem>>) src(%dma_wait3A_29 : memref<16xf32, #tpu.memory_space<hbm>>) dst(%arg5 : memref<16xf32, #tpu.memory_space<vmem>>)
    %dma_wait3A_30 = arith.constant 1 : i32
    %dma_wait3A_31 = arith.constant 0 : i32
    %dma_wait3A_32 = tpu.memref_slice %arg3[%dma_wait3A_30, %dma_wait3A_31] : memref<2x16xf32, #tpu.memory_space<hbm>> -> memref<1x16xf32, #tpu.memory_space<hbm>>
    %dma_wait3A_33 = tpu.memref_squeeze %dma_wait3A_32 : memref<1x16xf32, #tpu.memory_space<hbm>> -> memref<16xf32, #tpu.memory_space<hbm>>
    %dma_wait3A_34 = arith.constant 0 : i32
    %dma_wait3A_35 = tpu.memref_slice %arg3[%dma_wait3A_30, %dma_wait3A_34] : memref<2x16xf32, #tpu.memory_space<hbm>> -> memref<1x16xf32, #tpu.memory_space<hbm>>
    %dma_wait3A_36 = tpu.memref_squeeze %dma_wait3A_35 : memref<1x16xf32, #tpu.memory_space<hbm>> -> memref<16xf32, #tpu.memory_space<hbm>>
    tpu.wait_dma2 semaphore(%arg15 : memref<!tpu.dma_semaphore, #tpu.memory_space<semaphore_mem>>) src(%dma_wait3A_36 : memref<16xf32, #tpu.memory_space<hbm>>) dst(%arg6 : memref<16xf32, #tpu.memory_space<vmem>>)
    %dma_wait3A_37 = arith.constant 0 : i32
    %dma_wait3A_38 = tpu.memref_slice %arg2[%dma_wait3A_37, %mul3A_2] : memref<200x16384xi32, #tpu.memory_space<hbm>> -> memref<40x512xi32, #tpu.memory_space<hbm>>
    %dma_wait3A_39 = arith.constant 0 : i32
    %dma_wait3A_40 = tpu.memref_slice %arg2[%dma_wait3A_39, %mul3A_2] : memref<200x16384xi32, #tpu.memory_space<hbm>> -> memref<40x512xi32, #tpu.memory_space<hbm>>
    tpu.wait_dma2 semaphore(%arg11 : memref<!tpu.dma_semaphore, #tpu.memory_space<semaphore_mem>>) src(%dma_wait3A_40 : memref<40x512xi32, #tpu.memory_space<hbm>>) dst(%arg7 : memref<40x512xi32, #tpu.memory_space<vmem>>)
    %parallel_loop3A = arith.constant 0 : i32
    %parallel_loop3A_41 = arith.constant 1280 : i32
    %parallel_loop3A_42 = arith.constant 1 : i32
    scf.for %parallel_loop3A_163 = %parallel_loop3A to %parallel_loop3A_41 step %parallel_loop3A_42  : i32 {
      %parallel_loop3A_164 = arith.constant 5 : i32
      %parallel_loop3A_165 = arith.shrsi %parallel_loop3A_163, %parallel_loop3A_164 : i32
      %parallel_loop3A_166 = arith.constant 31 : i32
      %parallel_loop3A_167 = arith.andi %parallel_loop3A_163, %parallel_loop3A_166 : i32
      %parallel_loop3A_168 = arith.constant 16 : i32
      %parallel_loop3A_169 = arith.muli %parallel_loop3A_167, %parallel_loop3A_168 : i32
      %parallel_loop3A_170 = arith.index_cast %parallel_loop3A_165 : i32 to index
      %parallel_loop3A_171 = arith.index_cast %parallel_loop3A_169 : i32 to index
      %parallel_loop3A_172 = tpu.vector_load %arg7[%parallel_loop3A_170, %parallel_loop3A_171] {strides = array<i32>} : memref<40x512xi32, #tpu.memory_space<vmem>>, vector<16xi32>,
      %parallel_loop3A_173 = tpu.vector_load_idx %arg5[%parallel_loop3A_172] : memref<16xf32, #tpu.memory_space<vmem>>[vector<16xi32>], vector<16xf32>,
      %parallel_loop3A_174 = tpu.vector_load_idx %arg6[%parallel_loop3A_172] : memref<16xf32, #tpu.memory_space<vmem>>[vector<16xi32>], vector<16xf32>,
      %parallel_loop3A_175 = arith.constant 3 : i32
      %parallel_loop3A_176 = arith.shrsi %parallel_loop3A_167, %parallel_loop3A_175 : i32
      %parallel_loop3A_177 = arith.constant 7 : i32
      %parallel_loop3A_178 = arith.andi %parallel_loop3A_167, %parallel_loop3A_177 : i32
      %parallel_loop3A_179 = arith.constant 2 : i32
      %parallel_loop3A_180 = arith.muli %parallel_loop3A_179, %parallel_loop3A_176 : i32
      %parallel_loop3A_181 = arith.constant 16 : i32
      %parallel_loop3A_182 = arith.muli %parallel_loop3A_178, %parallel_loop3A_181 : i32
      %parallel_loop3A_183 = arith.index_cast %parallel_loop3A_165 : i32 to index
      %parallel_loop3A_184 = arith.index_cast %parallel_loop3A_180 : i32 to index
      %parallel_loop3A_185 = arith.index_cast %parallel_loop3A_182 : i32 to index
      %parallel_loop3A_186 = tpu.vector_load %arg9[%parallel_loop3A_183, %parallel_loop3A_184, %parallel_loop3A_185] {strides = array<i32>} : memref<40x8x128xf32, #tpu.memory_space<vmem>>, vector<16xf32>,
      tpu.vector_store %arg9[%parallel_loop3A_183, %parallel_loop3A_184, %parallel_loop3A_185], %parallel_loop3A_173 {strides = array<i32>} : memref<40x8x128xf32, #tpu.memory_space<vmem>>, vector<16xf32>,
      %parallel_loop3A_187 = arith.constant 2 : i32
      %parallel_loop3A_188 = arith.muli %parallel_loop3A_187, %parallel_loop3A_176 : i32
      %parallel_loop3A_189 = arith.constant 1 : i32
      %parallel_loop3A_190 = arith.addi %parallel_loop3A_188, %parallel_loop3A_189 : i32
      %parallel_loop3A_191 = arith.constant 16 : i32
      %parallel_loop3A_192 = arith.muli %parallel_loop3A_178, %parallel_loop3A_191 : i32
      %parallel_loop3A_193 = arith.index_cast %parallel_loop3A_165 : i32 to index
      %parallel_loop3A_194 = arith.index_cast %parallel_loop3A_190 : i32 to index
      %parallel_loop3A_195 = arith.index_cast %parallel_loop3A_192 : i32 to index
      %parallel_loop3A_196 = tpu.vector_load %arg9[%parallel_loop3A_193, %parallel_loop3A_194, %parallel_loop3A_195] {strides = array<i32>} : memref<40x8x128xf32, #tpu.memory_space<vmem>>, vector<16xf32>,
      tpu.vector_store %arg9[%parallel_loop3A_193, %parallel_loop3A_194, %parallel_loop3A_195], %parallel_loop3A_174 {strides = array<i32>} : memref<40x8x128xf32, #tpu.memory_space<vmem>>, vector<16xf32>,
    } {sc.loop_unroll_factor = 8 : i64, sc.parallel_access}
    %mul3A_43 = arith.constant 8 : i32
    %mul3A_44 = arith.muli %mul3A_43, %add3A : i32
    %dma_start3A_45 = arith.constant 0 : i32
    %dma_start3A_46 = arith.constant 0 : i32
    %dma_start3A_47 = tpu.memref_slice %arg4[%dma_start3A_45, %mul3A_44, %dma_start3A_46] : memref<200x256x128xf32, #tpu.memory_space<hbm>> -> memref<40x8x128xf32, #tpu.memory_space<hbm>>
    %dma_start3A_48 = arith.constant 0 : i32
    %dma_start3A_49 = arith.constant 0 : i32
    %dma_start3A_50 = tpu.memref_slice %arg4[%dma_start3A_48, %mul3A_44, %dma_start3A_49] : memref<200x256x128xf32, #tpu.memory_space<hbm>> -> memref<40x8x128xf32, #tpu.memory_space<hbm>>
    tpu.enqueue_dma source(%arg9 : memref<40x8x128xf32, #tpu.memory_space<vmem>>) target(%dma_start3A_50 : memref<40x8x128xf32, #tpu.memory_space<hbm>>) target_semaphore(%arg13 : memref<!tpu.dma_semaphore, #tpu.memory_space<semaphore_mem>>)
    %dma_start3A_51 = arith.constant 80 : i32
    %dma_start3A_52 = tpu.memref_slice %arg2[%dma_start3A_51, %mul3A_2] : memref<200x16384xi32, #tpu.memory_space<hbm>> -> memref<40x512xi32, #tpu.memory_space<hbm>>
    %dma_start3A_53 = arith.constant 80 : i32
    %dma_start3A_54 = tpu.memref_slice %arg2[%dma_start3A_53, %mul3A_2] : memref<200x16384xi32, #tpu.memory_space<hbm>> -> memref<40x512xi32, #tpu.memory_space<hbm>>
    tpu.enqueue_dma source(%dma_start3A_54 : memref<40x512xi32, #tpu.memory_space<hbm>>) target(%arg7 : memref<40x512xi32, #tpu.memory_space<vmem>>) target_semaphore(%arg11 : memref<!tpu.dma_semaphore, #tpu.memory_space<semaphore_mem>>)
    %dma_wait3A_55 = arith.constant 40 : i32
    %dma_wait3A_56 = tpu.memref_slice %arg2[%dma_wait3A_55, %mul3A_2] : memref<200x16384xi32, #tpu.memory_space<hbm>> -> memref<40x512xi32, #tpu.memory_space<hbm>>
    %dma_wait3A_57 = arith.constant 40 : i32
    %dma_wait3A_58 = tpu.memref_slice %arg2[%dma_wait3A_57, %mul3A_2] : memref<200x16384xi32, #tpu.memory_space<hbm>> -> memref<40x512xi32, #tpu.memory_space<hbm>>
    tpu.wait_dma2 semaphore(%arg12 : memref<!tpu.dma_semaphore, #tpu.memory_space<semaphore_mem>>) src(%dma_wait3A_58 : memref<40x512xi32, #tpu.memory_space<hbm>>) dst(%arg8 : memref<40x512xi32, #tpu.memory_space<vmem>>)
    %parallel_loop3A_59 = arith.constant 0 : i32
    %parallel_loop3A_60 = arith.constant 1280 : i32
    %parallel_loop3A_61 = arith.constant 1 : i32
    scf.for %parallel_loop3A_163 = %parallel_loop3A_59 to %parallel_loop3A_60 step %parallel_loop3A_61  : i32 {
      %parallel_loop3A_164 = arith.constant 5 : i32
      %parallel_loop3A_165 = arith.shrsi %parallel_loop3A_163, %parallel_loop3A_164 : i32
      %parallel_loop3A_166 = arith.constant 31 : i32
      %parallel_loop3A_167 = arith.andi %parallel_loop3A_163, %parallel_loop3A_166 : i32
      %parallel_loop3A_168 = arith.constant 16 : i32
      %parallel_loop3A_169 = arith.muli %parallel_loop3A_167, %parallel_loop3A_168 : i32
      %parallel_loop3A_170 = arith.index_cast %parallel_loop3A_165 : i32 to index
      %parallel_loop3A_171 = arith.index_cast %parallel_loop3A_169 : i32 to index
      %parallel_loop3A_172 = tpu.vector_load %arg8[%parallel_loop3A_170, %parallel_loop3A_171] {strides = array<i32>} : memref<40x512xi32, #tpu.memory_space<vmem>>, vector<16xi32>,
      %parallel_loop3A_173 = tpu.vector_load_idx %arg5[%parallel_loop3A_172] : memref<16xf32, #tpu.memory_space<vmem>>[vector<16xi32>], vector<16xf32>,
      %parallel_loop3A_174 = tpu.vector_load_idx %arg6[%parallel_loop3A_172] : memref<16xf32, #tpu.memory_space<vmem>>[vector<16xi32>], vector<16xf32>,
      %parallel_loop3A_175 = arith.constant 3 : i32
      %parallel_loop3A_176 = arith.shrsi %parallel_loop3A_167, %parallel_loop3A_175 : i32
      %parallel_loop3A_177 = arith.constant 7 : i32
      %parallel_loop3A_178 = arith.andi %parallel_loop3A_167, %parallel_loop3A_177 : i32
      %parallel_loop3A_179 = arith.constant 2 : i32
      %parallel_loop3A_180 = arith.muli %parallel_loop3A_179, %parallel_loop3A_176 : i32
      %parallel_loop3A_181 = arith.constant 16 : i32
      %parallel_loop3A_182 = arith.muli %parallel_loop3A_178, %parallel_loop3A_181 : i32
      %parallel_loop3A_183 = arith.index_cast %parallel_loop3A_165 : i32 to index
      %parallel_loop3A_184 = arith.index_cast %parallel_loop3A_180 : i32 to index
      %parallel_loop3A_185 = arith.index_cast %parallel_loop3A_182 : i32 to index
      %parallel_loop3A_186 = tpu.vector_load %arg10[%parallel_loop3A_183, %parallel_loop3A_184, %parallel_loop3A_185] {strides = array<i32>} : memref<40x8x128xf32, #tpu.memory_space<vmem>>, vector<16xf32>,
      tpu.vector_store %arg10[%parallel_loop3A_183, %parallel_loop3A_184, %parallel_loop3A_185], %parallel_loop3A_173 {strides = array<i32>} : memref<40x8x128xf32, #tpu.memory_space<vmem>>, vector<16xf32>,
      %parallel_loop3A_187 = arith.constant 2 : i32
      %parallel_loop3A_188 = arith.muli %parallel_loop3A_187, %parallel_loop3A_176 : i32
      %parallel_loop3A_189 = arith.constant 1 : i32
      %parallel_loop3A_190 = arith.addi %parallel_loop3A_188, %parallel_loop3A_189 : i32
      %parallel_loop3A_191 = arith.constant 16 : i32
      %parallel_loop3A_192 = arith.muli %parallel_loop3A_178, %parallel_loop3A_191 : i32
      %parallel_loop3A_193 = arith.index_cast %parallel_loop3A_165 : i32 to index
      %parallel_loop3A_194 = arith.index_cast %parallel_loop3A_190 : i32 to index
      %parallel_loop3A_195 = arith.index_cast %parallel_loop3A_192 : i32 to index
      %parallel_loop3A_196 = tpu.vector_load %arg10[%parallel_loop3A_193, %parallel_loop3A_194, %parallel_loop3A_195] {strides = array<i32>} : memref<40x8x128xf32, #tpu.memory_space<vmem>>, vector<16xf32>,
      tpu.vector_store %arg10[%parallel_loop3A_193, %parallel_loop3A_194, %parallel_loop3A_195], %parallel_loop3A_174 {strides = array<i32>} : memref<40x8x128xf32, #tpu.memory_space<vmem>>, vector<16xf32>,
    } {sc.loop_unroll_factor = 8 : i64, sc.parallel_access}
    %mul3A_62 = arith.constant 8 : i32
    %mul3A_63 = arith.muli %mul3A_62, %add3A : i32
    %dma_start3A_64 = arith.constant 40 : i32
    %dma_start3A_65 = arith.constant 0 : i32
    %dma_start3A_66 = tpu.memref_slice %arg4[%dma_start3A_64, %mul3A_63, %dma_start3A_65] : memref<200x256x128xf32, #tpu.memory_space<hbm>> -> memref<40x8x128xf32, #tpu.memory_space<hbm>>
    %dma_start3A_67 = arith.constant 40 : i32
    %dma_start3A_68 = arith.constant 0 : i32
    %dma_start3A_69 = tpu.memref_slice %arg4[%dma_start3A_67, %mul3A_63, %dma_start3A_68] : memref<200x256x128xf32, #tpu.memory_space<hbm>> -> memref<40x8x128xf32, #tpu.memory_space<hbm>>
    tpu.enqueue_dma source(%arg10 : memref<40x8x128xf32, #tpu.memory_space<vmem>>) target(%dma_start3A_69 : memref<40x8x128xf32, #tpu.memory_space<hbm>>) target_semaphore(%arg14 : memref<!tpu.dma_semaphore, #tpu.memory_space<semaphore_mem>>)
    %dma_start3A_70 = arith.constant 120 : i32
    %dma_start3A_71 = tpu.memref_slice %arg2[%dma_start3A_70, %mul3A_2] : memref<200x16384xi32, #tpu.memory_space<hbm>> -> memref<40x512xi32, #tpu.memory_space<hbm>>
    %dma_start3A_72 = arith.constant 120 : i32
    %dma_start3A_73 = tpu.memref_slice %arg2[%dma_start3A_72, %mul3A_2] : memref<200x16384xi32, #tpu.memory_space<hbm>> -> memref<40x512xi32, #tpu.memory_space<hbm>>
    tpu.enqueue_dma source(%dma_start3A_73 : memref<40x512xi32, #tpu.memory_space<hbm>>) target(%arg8 : memref<40x512xi32, #tpu.memory_space<vmem>>) target_semaphore(%arg12 : memref<!tpu.dma_semaphore, #tpu.memory_space<semaphore_mem>>)
    %dma_wait3A_74 = arith.constant 80 : i32
    %dma_wait3A_75 = tpu.memref_slice %arg2[%dma_wait3A_74, %mul3A_2] : memref<200x16384xi32, #tpu.memory_space<hbm>> -> memref<40x512xi32, #tpu.memory_space<hbm>>
    %dma_wait3A_76 = arith.constant 80 : i32
    %dma_wait3A_77 = tpu.memref_slice %arg2[%dma_wait3A_76, %mul3A_2] : memref<200x16384xi32, #tpu.memory_space<hbm>> -> memref<40x512xi32, #tpu.memory_space<hbm>>
    tpu.wait_dma2 semaphore(%arg11 : memref<!tpu.dma_semaphore, #tpu.memory_space<semaphore_mem>>) src(%dma_wait3A_77 : memref<40x512xi32, #tpu.memory_space<hbm>>) dst(%arg7 : memref<40x512xi32, #tpu.memory_space<vmem>>)
    %mul3A_78 = arith.constant 8 : i32
    %mul3A_79 = arith.muli %mul3A_78, %add3A : i32
    %dma_wait3A_80 = arith.constant 0 : i32
    %dma_wait3A_81 = arith.constant 0 : i32
    %dma_wait3A_82 = tpu.memref_slice %arg4[%dma_wait3A_80, %mul3A_79, %dma_wait3A_81] : memref<200x256x128xf32, #tpu.memory_space<hbm>> -> memref<40x8x128xf32, #tpu.memory_space<hbm>>
    %dma_wait3A_83 = arith.constant 0 : i32
    %dma_wait3A_84 = arith.constant 0 : i32
    %dma_wait3A_85 = tpu.memref_slice %arg4[%dma_wait3A_83, %mul3A_79, %dma_wait3A_84] : memref<200x256x128xf32, #tpu.memory_space<hbm>> -> memref<40x8x128xf32, #tpu.memory_space<hbm>>
    tpu.wait_dma2 semaphore(%arg13 : memref<!tpu.dma_semaphore, #tpu.memory_space<semaphore_mem>>) src(%arg9 : memref<40x8x128xf32, #tpu.memory_space<vmem>>) dst(%dma_wait3A_85 : memref<40x8x128xf32, #tpu.memory_space<hbm>>)
    %parallel_loop3A_86 = arith.constant 0 : i32
    %parallel_loop3A_87 = arith.constant 1280 : i32
    %parallel_loop3A_88 = arith.constant 1 : i32
    scf.for %parallel_loop3A_163 = %parallel_loop3A_86 to %parallel_loop3A_87 step %parallel_loop3A_88  : i32 {
      %parallel_loop3A_164 = arith.constant 5 : i32
      %parallel_loop3A_165 = arith.shrsi %parallel_loop3A_163, %parallel_loop3A_164 : i32
      %parallel_loop3A_166 = arith.constant 31 : i32
      %parallel_loop3A_167 = arith.andi %parallel_loop3A_163, %parallel_loop3A_166 : i32
      %parallel_loop3A_168 = arith.constant 16 : i32
      %parallel_loop3A_169 = arith.muli %parallel_loop3A_167, %parallel_loop3A_168 : i32
      %parallel_loop3A_170 = arith.index_cast %parallel_loop3A_165 : i32 to index
      %parallel_loop3A_171 = arith.index_cast %parallel_loop3A_169 : i32 to index
      %parallel_loop3A_172 = tpu.vector_load %arg7[%parallel_loop3A_170, %parallel_loop3A_171] {strides = array<i32>} : memref<40x512xi32, #tpu.memory_space<vmem>>, vector<16xi32>,
      %parallel_loop3A_173 = tpu.vector_load_idx %arg5[%parallel_loop3A_172] : memref<16xf32, #tpu.memory_space<vmem>>[vector<16xi32>], vector<16xf32>,
      %parallel_loop3A_174 = tpu.vector_load_idx %arg6[%parallel_loop3A_172] : memref<16xf32, #tpu.memory_space<vmem>>[vector<16xi32>], vector<16xf32>,
      %parallel_loop3A_175 = arith.constant 3 : i32
      %parallel_loop3A_176 = arith.shrsi %parallel_loop3A_167, %parallel_loop3A_175 : i32
      %parallel_loop3A_177 = arith.constant 7 : i32
      %parallel_loop3A_178 = arith.andi %parallel_loop3A_167, %parallel_loop3A_177 : i32
      %parallel_loop3A_179 = arith.constant 2 : i32
      %parallel_loop3A_180 = arith.muli %parallel_loop3A_179, %parallel_loop3A_176 : i32
      %parallel_loop3A_181 = arith.constant 16 : i32
      %parallel_loop3A_182 = arith.muli %parallel_loop3A_178, %parallel_loop3A_181 : i32
      %parallel_loop3A_183 = arith.index_cast %parallel_loop3A_165 : i32 to index
      %parallel_loop3A_184 = arith.index_cast %parallel_loop3A_180 : i32 to index
      %parallel_loop3A_185 = arith.index_cast %parallel_loop3A_182 : i32 to index
      %parallel_loop3A_186 = tpu.vector_load %arg9[%parallel_loop3A_183, %parallel_loop3A_184, %parallel_loop3A_185] {strides = array<i32>} : memref<40x8x128xf32, #tpu.memory_space<vmem>>, vector<16xf32>,
      tpu.vector_store %arg9[%parallel_loop3A_183, %parallel_loop3A_184, %parallel_loop3A_185], %parallel_loop3A_173 {strides = array<i32>} : memref<40x8x128xf32, #tpu.memory_space<vmem>>, vector<16xf32>,
      %parallel_loop3A_187 = arith.constant 2 : i32
      %parallel_loop3A_188 = arith.muli %parallel_loop3A_187, %parallel_loop3A_176 : i32
      %parallel_loop3A_189 = arith.constant 1 : i32
      %parallel_loop3A_190 = arith.addi %parallel_loop3A_188, %parallel_loop3A_189 : i32
      %parallel_loop3A_191 = arith.constant 16 : i32
      %parallel_loop3A_192 = arith.muli %parallel_loop3A_178, %parallel_loop3A_191 : i32
      %parallel_loop3A_193 = arith.index_cast %parallel_loop3A_165 : i32 to index
      %parallel_loop3A_194 = arith.index_cast %parallel_loop3A_190 : i32 to index
      %parallel_loop3A_195 = arith.index_cast %parallel_loop3A_192 : i32 to index
      %parallel_loop3A_196 = tpu.vector_load %arg9[%parallel_loop3A_193, %parallel_loop3A_194, %parallel_loop3A_195] {strides = array<i32>} : memref<40x8x128xf32, #tpu.memory_space<vmem>>, vector<16xf32>,
      tpu.vector_store %arg9[%parallel_loop3A_193, %parallel_loop3A_194, %parallel_loop3A_195], %parallel_loop3A_174 {strides = array<i32>} : memref<40x8x128xf32, #tpu.memory_space<vmem>>, vector<16xf32>,
    } {sc.loop_unroll_factor = 8 : i64, sc.parallel_access}
    %mul3A_89 = arith.constant 8 : i32
    %mul3A_90 = arith.muli %mul3A_89, %add3A : i32
    %dma_start3A_91 = arith.constant 80 : i32
    %dma_start3A_92 = arith.constant 0 : i32
    %dma_start3A_93 = tpu.memref_slice %arg4[%dma_start3A_91, %mul3A_90, %dma_start3A_92] : memref<200x256x128xf32, #tpu.memory_space<hbm>> -> memref<40x8x128xf32, #tpu.memory_space<hbm>>
    %dma_start3A_94 = arith.constant 80 : i32
    %dma_start3A_95 = arith.constant 0 : i32
    %dma_start3A_96 = tpu.memref_slice %arg4[%dma_start3A_94, %mul3A_90, %dma_start3A_95] : memref<200x256x128xf32, #tpu.memory_space<hbm>> -> memref<40x8x128xf32, #tpu.memory_space<hbm>>
    tpu.enqueue_dma source(%arg9 : memref<40x8x128xf32, #tpu.memory_space<vmem>>) target(%dma_start3A_96 : memref<40x8x128xf32, #tpu.memory_space<hbm>>) target_semaphore(%arg13 : memref<!tpu.dma_semaphore, #tpu.memory_space<semaphore_mem>>)
    %dma_start3A_97 = arith.constant 160 : i32
    %dma_start3A_98 = tpu.memref_slice %arg2[%dma_start3A_97, %mul3A_2] : memref<200x16384xi32, #tpu.memory_space<hbm>> -> memref<40x512xi32, #tpu.memory_space<hbm>>
    %dma_start3A_99 = arith.constant 160 : i32
    %dma_start3A_100 = tpu.memref_slice %arg2[%dma_start3A_99, %mul3A_2] : memref<200x16384xi32, #tpu.memory_space<hbm>> -> memref<40x512xi32, #tpu.memory_space<hbm>>
    tpu.enqueue_dma source(%dma_start3A_100 : memref<40x512xi32, #tpu.memory_space<hbm>>) target(%arg7 : memref<40x512xi32, #tpu.memory_space<vmem>>) target_semaphore(%arg11 : memref<!tpu.dma_semaphore, #tpu.memory_space<semaphore_mem>>)
    %dma_wait3A_101 = arith.constant 120 : i32
    %dma_wait3A_102 = tpu.memref_slice %arg2[%dma_wait3A_101, %mul3A_2] : memref<200x16384xi32, #tpu.memory_space<hbm>> -> memref<40x512xi32, #tpu.memory_space<hbm>>
    %dma_wait3A_103 = arith.constant 120 : i32
    %dma_wait3A_104 = tpu.memref_slice %arg2[%dma_wait3A_103, %mul3A_2] : memref<200x16384xi32, #tpu.memory_space<hbm>> -> memref<40x512xi32, #tpu.memory_space<hbm>>
    tpu.wait_dma2 semaphore(%arg12 : memref<!tpu.dma_semaphore, #tpu.memory_space<semaphore_mem>>) src(%dma_wait3A_104 : memref<40x512xi32, #tpu.memory_space<hbm>>) dst(%arg8 : memref<40x512xi32, #tpu.memory_space<vmem>>)
    %mul3A_105 = arith.constant 8 : i32
    %mul3A_106 = arith.muli %mul3A_105, %add3A : i32
    %dma_wait3A_107 = arith.constant 40 : i32
    %dma_wait3A_108 = arith.constant 0 : i32
    %dma_wait3A_109 = tpu.memref_slice %arg4[%dma_wait3A_107, %mul3A_106, %dma_wait3A_108] : memref<200x256x128xf32, #tpu.memory_space<hbm>> -> memref<40x8x128xf32, #tpu.memory_space<hbm>>
    %dma_wait3A_110 = arith.constant 40 : i32
    %dma_wait3A_111 = arith.constant 0 : i32
    %dma_wait3A_112 = tpu.memref_slice %arg4[%dma_wait3A_110, %mul3A_106, %dma_wait3A_111] : memref<200x256x128xf32, #tpu.memory_space<hbm>> -> memref<40x8x128xf32, #tpu.memory_space<hbm>>
    tpu.wait_dma2 semaphore(%arg14 : memref<!tpu.dma_semaphore, #tpu.memory_space<semaphore_mem>>) src(%arg10 : memref<40x8x128xf32, #tpu.memory_space<vmem>>) dst(%dma_wait3A_112 : memref<40x8x128xf32, #tpu.memory_space<hbm>>)
    %parallel_loop3A_113 = arith.constant 0 : i32
    %parallel_loop3A_114 = arith.constant 1280 : i32
    %parallel_loop3A_115 = arith.constant 1 : i32
    scf.for %parallel_loop3A_163 = %parallel_loop3A_113 to %parallel_loop3A_114 step %parallel_loop3A_115  : i32 {
      %parallel_loop3A_164 = arith.constant 5 : i32
      %parallel_loop3A_165 = arith.shrsi %parallel_loop3A_163, %parallel_loop3A_164 : i32
      %parallel_loop3A_166 = arith.constant 31 : i32
      %parallel_loop3A_167 = arith.andi %parallel_loop3A_163, %parallel_loop3A_166 : i32
      %parallel_loop3A_168 = arith.constant 16 : i32
      %parallel_loop3A_169 = arith.muli %parallel_loop3A_167, %parallel_loop3A_168 : i32
      %parallel_loop3A_170 = arith.index_cast %parallel_loop3A_165 : i32 to index
      %parallel_loop3A_171 = arith.index_cast %parallel_loop3A_169 : i32 to index
      %parallel_loop3A_172 = tpu.vector_load %arg8[%parallel_loop3A_170, %parallel_loop3A_171] {strides = array<i32>} : memref<40x512xi32, #tpu.memory_space<vmem>>, vector<16xi32>,
      %parallel_loop3A_173 = tpu.vector_load_idx %arg5[%parallel_loop3A_172] : memref<16xf32, #tpu.memory_space<vmem>>[vector<16xi32>], vector<16xf32>,
      %parallel_loop3A_174 = tpu.vector_load_idx %arg6[%parallel_loop3A_172] : memref<16xf32, #tpu.memory_space<vmem>>[vector<16xi32>], vector<16xf32>,
      %parallel_loop3A_175 = arith.constant 3 : i32
      %parallel_loop3A_176 = arith.shrsi %parallel_loop3A_167, %parallel_loop3A_175 : i32
      %parallel_loop3A_177 = arith.constant 7 : i32
      %parallel_loop3A_178 = arith.andi %parallel_loop3A_167, %parallel_loop3A_177 : i32
      %parallel_loop3A_179 = arith.constant 2 : i32
      %parallel_loop3A_180 = arith.muli %parallel_loop3A_179, %parallel_loop3A_176 : i32
      %parallel_loop3A_181 = arith.constant 16 : i32
      %parallel_loop3A_182 = arith.muli %parallel_loop3A_178, %parallel_loop3A_181 : i32
      %parallel_loop3A_183 = arith.index_cast %parallel_loop3A_165 : i32 to index
      %parallel_loop3A_184 = arith.index_cast %parallel_loop3A_180 : i32 to index
      %parallel_loop3A_185 = arith.index_cast %parallel_loop3A_182 : i32 to index
      %parallel_loop3A_186 = tpu.vector_load %arg10[%parallel_loop3A_183, %parallel_loop3A_184, %parallel_loop3A_185] {strides = array<i32>} : memref<40x8x128xf32, #tpu.memory_space<vmem>>, vector<16xf32>,
      tpu.vector_store %arg10[%parallel_loop3A_183, %parallel_loop3A_184, %parallel_loop3A_185], %parallel_loop3A_173 {strides = array<i32>} : memref<40x8x128xf32, #tpu.memory_space<vmem>>, vector<16xf32>,
      %parallel_loop3A_187 = arith.constant 2 : i32
      %parallel_loop3A_188 = arith.muli %parallel_loop3A_187, %parallel_loop3A_176 : i32
      %parallel_loop3A_189 = arith.constant 1 : i32
      %parallel_loop3A_190 = arith.addi %parallel_loop3A_188, %parallel_loop3A_189 : i32
      %parallel_loop3A_191 = arith.constant 16 : i32
      %parallel_loop3A_192 = arith.muli %parallel_loop3A_178, %parallel_loop3A_191 : i32
      %parallel_loop3A_193 = arith.index_cast %parallel_loop3A_165 : i32 to index
      %parallel_loop3A_194 = arith.index_cast %parallel_loop3A_190 : i32 to index
      %parallel_loop3A_195 = arith.index_cast %parallel_loop3A_192 : i32 to index
      %parallel_loop3A_196 = tpu.vector_load %arg10[%parallel_loop3A_193, %parallel_loop3A_194, %parallel_loop3A_195] {strides = array<i32>} : memref<40x8x128xf32, #tpu.memory_space<vmem>>, vector<16xf32>,
      tpu.vector_store %arg10[%parallel_loop3A_193, %parallel_loop3A_194, %parallel_loop3A_195], %parallel_loop3A_174 {strides = array<i32>} : memref<40x8x128xf32, #tpu.memory_space<vmem>>, vector<16xf32>,
    } {sc.loop_unroll_factor = 8 : i64, sc.parallel_access}
    %mul3A_116 = arith.constant 8 : i32
    %mul3A_117 = arith.muli %mul3A_116, %add3A : i32
    %dma_start3A_118 = arith.constant 120 : i32
    %dma_start3A_119 = arith.constant 0 : i32
    %dma_start3A_120 = tpu.memref_slice %arg4[%dma_start3A_118, %mul3A_117, %dma_start3A_119] : memref<200x256x128xf32, #tpu.memory_space<hbm>> -> memref<40x8x128xf32, #tpu.memory_space<hbm>>
    %dma_start3A_121 = arith.constant 120 : i32
    %dma_start3A_122 = arith.constant 0 : i32
    %dma_start3A_123 = tpu.memref_slice %arg4[%dma_start3A_121, %mul3A_117, %dma_start3A_122] : memref<200x256x128xf32, #tpu.memory_space<hbm>> -> memref<40x8x128xf32, #tpu.memory_space<hbm>>
    tpu.enqueue_dma source(%arg10 : memref<40x8x128xf32, #tpu.memory_space<vmem>>) target(%dma_start3A_123 : memref<40x8x128xf32, #tpu.memory_space<hbm>>) target_semaphore(%arg14 : memref<!tpu.dma_semaphore, #tpu.memory_space<semaphore_mem>>)
    %dma_wait3A_124 = arith.constant 160 : i32
    %dma_wait3A_125 = tpu.memref_slice %arg2[%dma_wait3A_124, %mul3A_2] : memref<200x16384xi32, #tpu.memory_space<hbm>> -> memref<40x512xi32, #tpu.memory_space<hbm>>
    %dma_wait3A_126 = arith.constant 160 : i32
    %dma_wait3A_127 = tpu.memref_slice %arg2[%dma_wait3A_126, %mul3A_2] : memref<200x16384xi32, #tpu.memory_space<hbm>> -> memref<40x512xi32, #tpu.memory_space<hbm>>
    tpu.wait_dma2 semaphore(%arg11 : memref<!tpu.dma_semaphore, #tpu.memory_space<semaphore_mem>>) src(%dma_wait3A_127 : memref<40x512xi32, #tpu.memory_space<hbm>>) dst(%arg7 : memref<40x512xi32, #tpu.memory_space<vmem>>)
    %mul3A_128 = arith.constant 8 : i32
    %mul3A_129 = arith.muli %mul3A_128, %add3A : i32
    %dma_wait3A_130 = arith.constant 80 : i32
    %dma_wait3A_131 = arith.constant 0 : i32
    %dma_wait3A_132 = tpu.memref_slice %arg4[%dma_wait3A_130, %mul3A_129, %dma_wait3A_131] : memref<200x256x128xf32, #tpu.memory_space<hbm>> -> memref<40x8x128xf32, #tpu.memory_space<hbm>>
    %dma_wait3A_133 = arith.constant 80 : i32
    %dma_wait3A_134 = arith.constant 0 : i32
    %dma_wait3A_135 = tpu.memref_slice %arg4[%dma_wait3A_133, %mul3A_129, %dma_wait3A_134] : memref<200x256x128xf32, #tpu.memory_space<hbm>> -> memref<40x8x128xf32, #tpu.memory_space<hbm>>
    tpu.wait_dma2 semaphore(%arg13 : memref<!tpu.dma_semaphore, #tpu.memory_space<semaphore_mem>>) src(%arg9 : memref<40x8x128xf32, #tpu.memory_space<vmem>>) dst(%dma_wait3A_135 : memref<40x8x128xf32, #tpu.memory_space<hbm>>)
    %parallel_loop3A_136 = arith.constant 0 : i32
    %parallel_loop3A_137 = arith.constant 1280 : i32
    %parallel_loop3A_138 = arith.constant 1 : i32
    scf.for %parallel_loop3A_163 = %parallel_loop3A_136 to %parallel_loop3A_137 step %parallel_loop3A_138  : i32 {
      %parallel_loop3A_164 = arith.constant 5 : i32
      %parallel_loop3A_165 = arith.shrsi %parallel_loop3A_163, %parallel_loop3A_164 : i32
      %parallel_loop3A_166 = arith.constant 31 : i32
      %parallel_loop3A_167 = arith.andi %parallel_loop3A_163, %parallel_loop3A_166 : i32
      %parallel_loop3A_168 = arith.constant 16 : i32
      %parallel_loop3A_169 = arith.muli %parallel_loop3A_167, %parallel_loop3A_168 : i32
      %parallel_loop3A_170 = arith.index_cast %parallel_loop3A_165 : i32 to index
      %parallel_loop3A_171 = arith.index_cast %parallel_loop3A_169 : i32 to index
      %parallel_loop3A_172 = tpu.vector_load %arg7[%parallel_loop3A_170, %parallel_loop3A_171] {strides = array<i32>} : memref<40x512xi32, #tpu.memory_space<vmem>>, vector<16xi32>,
      %parallel_loop3A_173 = tpu.vector_load_idx %arg5[%parallel_loop3A_172] : memref<16xf32, #tpu.memory_space<vmem>>[vector<16xi32>], vector<16xf32>,
      %parallel_loop3A_174 = tpu.vector_load_idx %arg6[%parallel_loop3A_172] : memref<16xf32, #tpu.memory_space<vmem>>[vector<16xi32>], vector<16xf32>,
      %parallel_loop3A_175 = arith.constant 3 : i32
      %parallel_loop3A_176 = arith.shrsi %parallel_loop3A_167, %parallel_loop3A_175 : i32
      %parallel_loop3A_177 = arith.constant 7 : i32
      %parallel_loop3A_178 = arith.andi %parallel_loop3A_167, %parallel_loop3A_177 : i32
      %parallel_loop3A_179 = arith.constant 2 : i32
      %parallel_loop3A_180 = arith.muli %parallel_loop3A_179, %parallel_loop3A_176 : i32
      %parallel_loop3A_181 = arith.constant 16 : i32
      %parallel_loop3A_182 = arith.muli %parallel_loop3A_178, %parallel_loop3A_181 : i32
      %parallel_loop3A_183 = arith.index_cast %parallel_loop3A_165 : i32 to index
      %parallel_loop3A_184 = arith.index_cast %parallel_loop3A_180 : i32 to index
      %parallel_loop3A_185 = arith.index_cast %parallel_loop3A_182 : i32 to index
      %parallel_loop3A_186 = tpu.vector_load %arg9[%parallel_loop3A_183, %parallel_loop3A_184, %parallel_loop3A_185] {strides = array<i32>} : memref<40x8x128xf32, #tpu.memory_space<vmem>>, vector<16xf32>,
      tpu.vector_store %arg9[%parallel_loop3A_183, %parallel_loop3A_184, %parallel_loop3A_185], %parallel_loop3A_173 {strides = array<i32>} : memref<40x8x128xf32, #tpu.memory_space<vmem>>, vector<16xf32>,
      %parallel_loop3A_187 = arith.constant 2 : i32
      %parallel_loop3A_188 = arith.muli %parallel_loop3A_187, %parallel_loop3A_176 : i32
      %parallel_loop3A_189 = arith.constant 1 : i32
      %parallel_loop3A_190 = arith.addi %parallel_loop3A_188, %parallel_loop3A_189 : i32
      %parallel_loop3A_191 = arith.constant 16 : i32
      %parallel_loop3A_192 = arith.muli %parallel_loop3A_178, %parallel_loop3A_191 : i32
      %parallel_loop3A_193 = arith.index_cast %parallel_loop3A_165 : i32 to index
      %parallel_loop3A_194 = arith.index_cast %parallel_loop3A_190 : i32 to index
      %parallel_loop3A_195 = arith.index_cast %parallel_loop3A_192 : i32 to index
      %parallel_loop3A_196 = tpu.vector_load %arg9[%parallel_loop3A_193, %parallel_loop3A_194, %parallel_loop3A_195] {strides = array<i32>} : memref<40x8x128xf32, #tpu.memory_space<vmem>>, vector<16xf32>,
      tpu.vector_store %arg9[%parallel_loop3A_193, %parallel_loop3A_194, %parallel_loop3A_195], %parallel_loop3A_174 {strides = array<i32>} : memref<40x8x128xf32, #tpu.memory_space<vmem>>, vector<16xf32>,
    } {sc.loop_unroll_factor = 8 : i64, sc.parallel_access}
    %mul3A_139 = arith.constant 8 : i32
    %mul3A_140 = arith.muli %mul3A_139, %add3A : i32
    %dma_start3A_141 = arith.constant 160 : i32
    %dma_start3A_142 = arith.constant 0 : i32
    %dma_start3A_143 = tpu.memref_slice %arg4[%dma_start3A_141, %mul3A_140, %dma_start3A_142] : memref<200x256x128xf32, #tpu.memory_space<hbm>> -> memref<40x8x128xf32, #tpu.memory_space<hbm>>
    %dma_start3A_144 = arith.constant 160 : i32
    %dma_start3A_145 = arith.constant 0 : i32
    %dma_start3A_146 = tpu.memref_slice %arg4[%dma_start3A_144, %mul3A_140, %dma_start3A_145] : memref<200x256x128xf32, #tpu.memory_space<hbm>> -> memref<40x8x128xf32, #tpu.memory_space<hbm>>
    tpu.enqueue_dma source(%arg9 : memref<40x8x128xf32, #tpu.memory_space<vmem>>) target(%dma_start3A_146 : memref<40x8x128xf32, #tpu.memory_space<hbm>>) target_semaphore(%arg13 : memref<!tpu.dma_semaphore, #tpu.memory_space<semaphore_mem>>)
    %mul3A_147 = arith.constant 8 : i32
    %mul3A_148 = arith.muli %mul3A_147, %add3A : i32
    %dma_wait3A_149 = arith.constant 120 : i32
    %dma_wait3A_150 = arith.constant 0 : i32
    %dma_wait3A_151 = tpu.memref_slice %arg4[%dma_wait3A_149, %mul3A_148, %dma_wait3A_150] : memref<200x256x128xf32, #tpu.memory_space<hbm>> -> memref<40x8x128xf32, #tpu.memory_space<hbm>>
    %dma_wait3A_152 = arith.constant 120 : i32
    %dma_wait3A_153 = arith.constant 0 : i32
    %dma_wait3A_154 = tpu.memref_slice %arg4[%dma_wait3A_152, %mul3A_148, %dma_wait3A_153] : memref<200x256x128xf32, #tpu.memory_space<hbm>> -> memref<40x8x128xf32, #tpu.memory_space<hbm>>
    tpu.wait_dma2 semaphore(%arg14 : memref<!tpu.dma_semaphore, #tpu.memory_space<semaphore_mem>>) src(%arg10 : memref<40x8x128xf32, #tpu.memory_space<vmem>>) dst(%dma_wait3A_154 : memref<40x8x128xf32, #tpu.memory_space<hbm>>)
    %mul3A_155 = arith.constant 8 : i32
    %mul3A_156 = arith.muli %mul3A_155, %add3A : i32
    %dma_wait3A_157 = arith.constant 160 : i32
    %dma_wait3A_158 = arith.constant 0 : i32
    %dma_wait3A_159 = tpu.memref_slice %arg4[%dma_wait3A_157, %mul3A_156, %dma_wait3A_158] : memref<200x256x128xf32, #tpu.memory_space<hbm>> -> memref<40x8x128xf32, #tpu.memory_space<hbm>>
    %dma_wait3A_160 = arith.constant 160 : i32
    %dma_wait3A_161 = arith.constant 0 : i32
    %dma_wait3A_162 = tpu.memref_slice %arg4[%dma_wait3A_160, %mul3A_156, %dma_wait3A_161] : memref<200x256x128xf32, #tpu.memory_space<hbm>> -> memref<40x8x128xf32, #tpu.memory_space<hbm>>
    tpu.wait_dma2 semaphore(%arg13 : memref<!tpu.dma_semaphore, #tpu.memory_space<semaphore_mem>>) src(%arg9 : memref<40x8x128xf32, #tpu.memory_space<vmem>>) dst(%dma_wait3A_162 : memref<40x8x128xf32, #tpu.memory_space<hbm>>)
    return
  }
}

</mosaic_0001>

<sc_bundles>
// kernel: kernel.3.cloned.1.call-start
scs
__scs_entry_jumppad:
0x0: {  	(pc) =	sbr.rel $0x88, $3  }
0x1: {  	(tag) =	ssettag $0x0;
	lr =	simm.s32 $0x1  }
0x2: {  	[smem:$0x3F9F] =	sst lr;
	_ =	strace $0xD0000000  }
0x3: {  	_ = 	snop  }
0x4: {  	_ = 	snop  }
0x5: {  	_ = 	snop  }
0x6: {  	_ = 	snop  }
0x7: {  	_ = 	snop  }
__scs_overlays_trampoline_lowered:
0x8: {  	[smem:$0x3FAE] =	sst s0  }
0x9: {  	[smem:$0x3FAF] =	sst s1  }
0xa: {  	[smem:$0x3FB0] =	sst s2  }
0xb: {  	[smem:$0x3FB1] =	sst s3  }
0xc: {  	[smem:$0x3FB2] =	sst s4  }
0xd: {  	[smem:$0x3FB3] =	sst s5  }
0xe: {  	[smem:$0x3FB4] =	sst s6  }
0xf: {  	[smem:$0x3FB5] =	sst s7  }
0x10: {  	[smem:$0x3FB6] =	sst s8  }
0x11: {  	[smem:$0x3FB7] =	sst s9;
	s0 =	simm.s32 @!p0 $0x0  }
0x12: {  	s1 =	sld [smem:$0x3F9D];
	s0 =	simm.s32 @p0 $0x1  }
0x13: {  	[smem:$0x3FB8] =	sst s0;
	s0 =	simm.s32 @!p1 $0x0  }
0x14: {  	s2 =	sld [smem:$0x3F9C];
	s0 =	simm.s32 @p1 $0x1  }
0x15: {  	[smem:$0x3FB9] =	sst s0;
	s0 =	simm.s32 @!p2 $0x0  }
0x16: {  	s3 =	sld [smem:$0x3FDB];
	s0 =	simm.s32 @p2 $0x1  }
0x17: {  	s4 =	simm.s32 $0x1BF5;
	[smem:$0x3FBB] =	sst s0  }
0x18: {  	s0 =	sld [smem:$0x3F9E];
	_ =	swait.ge [sflag:s4], $0x0  }
0x19: {  	s7 =	sld [smem:$0x3F9F]  }
0x1a: {  	s8 =	sadd.s32 $0xFFFFE003, lr  }
0x1b: {  	s9 =	sadd.s32 $0xFFFFFEF7, lr;
	s5 =	simm.s32 $0xFFFFFFFF;
	p2 =	slt.u32 s8, $0xFFFFF086  }
0x1c: {  	p1 =	slt.u32 s9, $0xF7A;
	s5 =	simm.s32 @!p2 $0x0  }
0x1d: {  	s5 =	simm.s32 @p1 $0x1;
	p0 =	seq.s32 s7, s2  }
0x1e: {  	s7 =	smul.u32 @!p0 $0xF7A, s2;
	p2 =	seq.s32 @!p0 s5, $0x0  }
0x1f: {  	s9 =	smul.u32 $0xF7A, s1;
	s8 =	simm.s32 @!p0 $0x1BF5;
	p2 =	por !p2, p0  }
0x20: {  	[sflag:s8] =	ssyncset.s32 @!p0 $0xFFFFF086;
	s6 =	sadd.s32 @!p0 s3, s7;
	s7 =	simm.s32 @!p0 $0x108  }
0x21: {  	s3 =	sadd.s32 s3, s9;
	s6 =	sadd.s32 @!p0 $0x88, s6;
	s7 =	simm.s32 @p2 $0x1082  }
0x22: {  	[simem:s7], [sflag:s8] =	dma.local @!p0 [hbm:s6], $0xF7A  }
0x23: {  	s9 =	sor.u32 $0xD0000000, s2;
	s6 =	simm.s32 $0x108;
	_ =	swait.ge @!p0 [sflag:s8], $0x0  }
0x24: {  	s3 =	sadd.s32 $0x88, s3;
	s6 =	simm.s32 @!p1 $0x1082;
	[sflag:s4] =	ssyncset.s32 $0xFFFFF086  }
0x25: {  	[simem:s6], [sflag:s4] =	dma.local [hbm:s3], $0xF7A  }
0x26: {  	[smem:$0x3F9F] =	sst s1;
	(tag) =	ssettag s2;
	_ =	strace s9  }
0x27: {  	s1 =	sld [smem:$0x3FAF]  }
0x28: {  	s2 =	sld [smem:$0x3FB0]  }
0x29: {  	s4 =	sld [smem:$0x3FB2]  }
0x2a: {  	p0 =	seq.s32 s5, $0x0;
	s5 =	sld [smem:$0x3FB3]  }
0x2b: {  	s6 =	sld [smem:$0x3FB4]  }
0x2c: {  	s7 =	sld [smem:$0x3FB5]  }
0x2d: {  	s3 =	simm.s32 $0x108;
	s8 =	sld [smem:$0x3FB6]  }
0x2e: {  	s3 =	simm.s32 @!p0 $0x1082;
	s9 =	sld [smem:$0x3FB7]  }
0x2f: {  	lr =	sadd.s32 s0, s3;
	s0 =	sld [smem:$0x3FAE]  }
0x30: {  	s3 =	sld [smem:$0x3FB1]  }
0x31: {  	[smem:$0x3FBA] =	sst s10  }
0x32: {  	s10 =	sld [smem:$0x3FB8];
	_ =	sdelay $0x3  }
0x33: {  	p0 =	seq.s32 s10, $0x1;
	s10 =	sld [smem:$0x3FBA];
	_ =	sdelay $0x3  }
0x34: {  	[smem:$0x3FBA] =	sst s10  }
0x35: {  	s10 =	sld [smem:$0x3FB9];
	_ =	sdelay $0x3  }
0x36: {  	p1 =	seq.s32 s10, $0x1;
	s10 =	sld [smem:$0x3FBA];
	_ =	sdelay $0x3  }
0x37: {  	[smem:$0x3FBA] =	sst s10  }
0x38: {  	s10 =	sld [smem:$0x3FBB]  }
0x39: {  	_ = 	snop;
	(pc) =	sbr.ind lr, $3  }
0x3a: {  	_ = 	snop  }
0x3b: {  	_ = 	snop  }
0x3c: {  	p2 =	seq.s32 s10, $0x1;
	s10 =	sld [smem:$0x3FBA]  }
0x3d: {  	_ =	shalt  }
0x3e: {  	_ =	shalt  }
0x3f: {  	_ =	shalt  }
0x40: {  	_ =	shalt  }
0x41: {  	_ =	shalt  }
0x42: {  	_ =	shalt  }
0x43: {  	_ =	shalt  }
0x44: {  	_ =	shalt  }
0x45: {  	_ =	shalt  }
0x46: {  	_ =	shalt  }
0x47: {  	_ =	shalt  }
0x48: {  	_ =	shalt  }
0x49: {  	_ =	shalt  }
0x4a: {  	_ =	shalt  }
0x4b: {  	_ =	shalt  }
0x4c: {  	_ =	shalt  }
0x4d: {  	_ =	shalt  }
0x4e: {  	_ =	shalt  }
0x4f: {  	_ =	shalt  }
0x50: {  	_ =	shalt  }
0x51: {  	_ =	shalt  }
0x52: {  	_ =	shalt  }
0x53: {  	_ =	shalt  }
0x54: {  	_ =	shalt  }
0x55: {  	_ =	shalt  }
0x56: {  	_ =	shalt  }
0x57: {  	_ =	shalt  }
0x58: {  	_ =	shalt  }
0x59: {  	_ =	shalt  }
0x5a: {  	_ =	shalt  }
0x5b: {  	_ =	shalt  }
0x5c: {  	_ =	shalt  }
0x5d: {  	_ =	shalt  }
0x5e: {  	_ =	shalt  }
0x5f: {  	_ =	shalt  }
0x60: {  	_ =	shalt  }
0x61: {  	_ =	shalt  }
0x62: {  	_ =	shalt  }
0x63: {  	_ =	shalt  }
0x64: {  	_ =	shalt  }
0x65: {  	_ =	shalt  }
0x66: {  	_ =	shalt  }
0x67: {  	_ =	shalt  }
0x68: {  	_ =	shalt  }
0x69: {  	_ =	shalt  }
0x6a: {  	_ =	shalt  }
0x6b: {  	_ =	shalt  }
0x6c: {  	_ =	shalt  }
0x6d: {  	_ =	shalt  }
0x6e: {  	_ =	shalt  }
0x6f: {  	_ =	shalt  }
0x70: {  	_ =	shalt  }
0x71: {  	_ =	shalt  }
0x72: {  	_ =	shalt  }
0x73: {  	_ =	shalt  }
0x74: {  	_ =	shalt  }
0x75: {  	_ =	shalt  }
0x76: {  	_ =	shalt  }
0x77: {  	_ =	shalt  }
0x78: {  	_ =	shalt  }
0x79: {  	_ =	shalt  }
0x7a: {  	_ =	shalt  }
0x7b: {  	_ =	shalt  }
0x7c: {  	_ =	shalt  }
0x7d: {  	_ =	shalt  }
0x7e: {  	_ =	shalt  }
0x7f: {  	_ =	shalt  }
0x80: {  	_ =	shalt  }
0x81: {  	_ =	shalt  }
0x82: {  	_ =	shalt  }
0x83: {  	_ =	shalt  }
0x84: {  	_ =	shalt  }
0x85: {  	_ =	shalt  }
0x86: {  	_ =	shalt  }
0x87: {  	_ =	shalt  }
.Lfunc_end0:
.L_simem_size_0:
called_computation_lowered:
.L_overlay_start_0:
0x88: {  	s2 =	sld [smem:$0x3FD9]  }
0x89: {  	s3 =	sld [smem:$0x3FFE];
	_ =	sdelay $0x1  }
0x8a: {  	s1 =	srdreg.scid  }
0x8b: {  	s0 =	sand.u32 $0x1, s1  }
0x8c: {  	s18 =	sshll.u32 s0, $0xA;
	s2 =	sadd.s32 s3, s2  }
0x8d: {  	s2 =	sadd.s32 s2, s18  }
0x8e: {  	[smem:$0x3FC6] =	sst s2  }
0x8f: {  	_ = 	snop  }
0x90: {  	s2 =	sld [smem:$0x3FC9]  }
0x91: {  	s19 =	sld [smem:$0x3FC8]  }
0x92: {  	s4 =	sld [smem:$0x3FD0];
	(tm) =	ssettm $0x1  }
0x93: {  	s5 =	sld [smem:$0x3FFB];
	_ =	sdelay $0x3  }
0x94: {  	_ =	strace s5  }
0x95: {  	s5 =	sld [smem:$0x3FFC];
	_ =	sdelay $0x3  }
0x96: {  	_ =	strace s5  }
0x97: {  	s5 =	sld [smem:$0x3FFD];
	_ =	sdelay $0x3  }
0x98: {  	_ =	strace s5  }
0x99: {  	_ =	strace $0x8FFFFFFF  }
0x9a: {  	s20 =	sld [smem:$0x3FDB];
	_ =	sdelay $0x1  }
0x9b: {  	s6 =	simm.s32 $_scs_section_size  }
0x9c: {  	s7 =	simm.s32 $_size__tile_overlayer_lowered;
	s8 =	simm.s32 $_tile_overlayer_lowered  }
0x9d: {  	s23 =	simm.s32 $0x1BFF;
	s22 =	sshll.u32 s8, $0x1;
	s5 =	sadd.s32 s6, s20  }
0x9e: {  	s9 =	simm.s32 $0x0;
	s21 =	sshll.u32 s7, $0x1;
	s7 =	sadd.s32 s22, s5  }
0x9f: {  	[timem:s9], [sflag:s23] =	dma.local [hbm:s7], s21  }
0xa0: {  	_ =	swait.ge [sflag:s23], s21  }
0xa1: {  	s6 =	ssub.s32 $0x0, s21;
	[sflag:s23] =	ssyncset.done $0x0  }
0xa2: {  	[sflag:s23] =	ssyncadd.s32 s6;
	_ =	sdelay $0x1  }
0xa3: {  	s24 =	simm.s32 $0x1B8B  }
0xa4: {  	_ =	swait.ge [sflag:s24], $0x1  }
0xa5: {  	[sflag:s24] =	ssyncset.done $0x0  }
0xa6: {  	s25 =	simm.s32 $0x1B8E;
	[sflag:s24] =	ssyncadd.s32 $0xFFFFFFFF  }
0xa7: {  	s26 =	simm.s32 $execute0_lowered;
	[smem:$0x3FD2] =	sst s25  }
0xa8: {  	s6 =	sshll.u32 s26, $0x1;
	_ =	strace $0x80000046;
	[dreg:$0x1] =	wrdreg $0xFFFFFFFF  }
0xa9: {  	s28 =	simm.s32 $_size_execute0_lowered;
	s5 =	sadd.s32 s5, s6;
	[dreg:$0x0] =	wrdreg $0x0  }
0xaa: {  	s6 =	sshll.u32 s28, $0x1;
	[dreg:$0x2] =	wrdreg s5  }
0xab: {  	[dreg:$0x3] =	wrdreg s6  }
0xac: {  	[dreg:$0x4] =	wrdreg $0xC0  }
0xad: {  	_ =	task [dreg:s9], $0x5FFFF  }
0xae: {  	[dreg:$0x1] =	wrdreg $0xFFFFFFFF  }
0xaf: {  	[dreg:$0x0] =	wrdreg $0x60  }
0xb0: {  	[dreg:$0x2] =	wrdreg s2  }
0xb1: {  	[dreg:$0x3] =	wrdreg s19  }
0xb2: {  	[dreg:$0x4] =	wrdreg s4  }
0xb3: {  	[dreg:$0x5] =	wrdreg $0x9  }
0xb4: {  	_ =	task.clear_ibuf [dreg:s9], $0x6FFFF;
	_ =	strace $0x90000046  }
0xb5: {  	s29 =	simm.s32 $0x9;
	_ =	strace $0x80000048  }
0xb6: {  	_ =	swait.ge [sflag:s29], $0x1  }
0xb7: {  	[sflag:s29] =	ssyncadd.s32 $0xFFFFFFFF  }
0xb8: {  	_ =	strace $0x90000048  }
0xb9: {  	_ =	sfence  }
0xba: {  	s30 =	sld [smem:$0x0];
	_ =	sdelay $0x2  }
0xbb: {  	s31 =	sshll.u32 s1, $0xD;
	s1 =	sshrl.u32 s1, $0x2  }
0xbc: {  	s3 =	sand.u32 $0x4000, s31;
	s1 =	sadd.s32 s1, s30  }
0xbd: {  	s0 =	sor.u32 s3, s0;
	s1 =	sshll.u32 s1, $0x11  }
0xbe: {  	s0 =	sor.u32 s1, s0  }
0xbf: {  	s0 =	sadd.s32 $0x8F2B, s0  }
0xc0: {  	[sflag:s0] =	ssyncadd.remote.s32 $0x1  }
0xc1: {  	_ =	sfence.sel $0xFFFF  }
0xc2: {  	[dreg:$0x0] =	wrdreg $0xFFFFFFFF;
	(pc) =	sbr.abs _section_cstart, $3  }
0xc3: {  	[dreg:$0x1] =	wrdreg $0xFFFFFFFF  }
0xc4: {  	_ =	task.clear_ibuf [dreg:s9], $0x2FFFF;
	_ =	strace $0x9FFFFFFF  }
0xc5: {  	(tm) =	ssettm $0x7FFFFFFF  }
tec
execute0_lowered:
.L_overlay_start_1:
0x0: {  	(tag) =	ssettag $0x1  }
0x1: {  	s0 =	rddreg [dreg:$0x0]  }
0x2: {  	s1 =	rddreg [dreg:$0x1]  }
0x3: {  	s2 =	rddreg [dreg:$0x2];
	s4 =	srdreg.scid  }
0x4: {  	s3 =	simm.s32 $0x0;
	s6 =	stileid.u32;
	s16 =	simm.s32 $0x80  }
0x5: {  	s17 =	simm.s32 $0x1000;
	s18 =	simm.s32 $0x20000;
	s19 =	simm.s32 $0x100  }
0x6: {  	s20 =	simm.s32 $0x5100;
	s21 =	simm.s32 $0x5;
	s22 =	simm.s32 $0x1  }
0x7: {  	s23 =	simm.s32 $0x400;
	s24 =	simm.s32 $0x8000;
	s28 =	simm.s32 $0x14100  }
0x8: {  	s29 =	simm.s32 $0x3;
	s30 =	simm.s32 $0x4;
	s31 =	simm.s32 $0x0  }
0x9: {  	s4 =	sand.u32 $0x1, s4;
	[smem:$0x7FF] =	sst s3;
	s6 =	sshll.u32 s6, $0x1  }
0xa: {  	s1 =	sadd.s32 $0x10, s1;
	s5 =	ssub.s32 $0x2, s4;
	_ =	strace $0x80000047  }
0xb: {  	s4 =	sor.u32 s4, s6;
	[dreg:$0x4] =	wrdreg s1;
	s7 =	sshrl.u32 s5, $0x1  }
0xc: {  	s25 =	sshll.u32 s4, $0x9;
	s6 =	sshll.u32 s4, $0x7;
	s15 =	ssub.s32 s5, s7  }
0xd: {  	s5 =	sadd.s32 s0, s25;
	s6 =	sadd.s32 s2, s6;
	s25 =	simm.s32 $0xA100  }
0xe: {  	s0 =	sadd.s32 $0x14000, s5;
	s26 =	sadd.s32 $0x28000, s5;
	s9 =	sadd.s32 $0x28000, s6  }
0xf: {  	s10 =	sadd.s32 $0x3C000, s5;
	s11 =	sadd.s32 $0x50000, s6;
	s12 =	sadd.s32 $0x50000, s5  }
0x10: {  	s13 =	sadd.s32 $0x78000, s6;
	s14 =	sadd.s32 $0xA0000, s6;
	[dreg:$0x5] =	wrdreg s0  }
0x11: {  	s15 =	smax.u32 s15, $0x1;
	[dreg:$0x6] =	wrdreg s26;
	s26 =	simm.s32 $0x2  }
.LBB2_1:
0x12: {  	s0 =	rddreg [dreg:$0x1]  }
0x13: {  	[tilespmem:s3], [sflag:$0x5] =	stream.linear.gather [hbm4b:s0+s3], $0x80, $0x38;
	[tilespmem:$0x1E100] =	vst v63  }
0x14: {  	s4 =	rddreg [dreg:$0x4]  }
0x15: {  	[tilespmem:s16], [sflag:$0x5] =	stream.linear.gather [hbm4b:s4+s3], $0x80, $0x38;
	[tilespmem:$0x1E100] =	vst v63  }
0x16: {  	_ = 	snop  }
0x17: {  	[tilespmem:s19], [sflag:$0x1] =	stream.strided.gather [hbm4b:s5+s17], $0x5000, s18, s17, $0x38;
	[tilespmem:$0x1E100] =	vst v63  }
0x18: {  	s7 =	rddreg [dreg:$0x5]  }
0x19: {  	[tilespmem:s20], [sflag:$0x2] =	stream.strided.gather [hbm4b:s7+s17], $0x5000, s18, s17, $0x38;
	[tilespmem:$0x1E100] =	vst v63  }
0x1a: {  	_ =	swait.ge [sflag:s21], $0x80  }
0x1b: {  	[sflag:s21] =	ssyncset.done $0x0  }
0x1c: {  	[sflag:s21] =	ssyncadd.s32 $0xFFFFFF80  }
0x1d: {  	_ =	swait.ge [sflag:s21], $0x80  }
0x1e: {  	s1 =	simm.s32 $0x0;
	s0 =	simm.s32 $0x0;
	[sflag:s21] =	ssyncset.done $0x0  }
0x1f: {  	s1 =	sand.u32 $0x7000, s1;
	s2 =	sand.u32 $0x18, s0;
	[sflag:s21] =	ssyncadd.s32 $0xFFFFFF80  }
0x20: {  	s4 =	simm.s32 $0x0;
	s7 =	sshll.u32 s2, $0x7;
	_ =	swait.ge [sflag:s22], $0x5000  }
0x21: {  	s4 =	sand.u32 $0x380, s4;
	s1 =	sor.u32 s7, s1;
	[sflag:s22] =	ssyncset.done $0x0  }
0x22: {  	s1 =	sor.u32 s1, s4;
	[sflag:s22] =	ssyncadd.s32 $0xFFFFB000  }
0x23: {  	v3 =	vld [tilespmem:s1+$0x170]  }
0x24: {  	v4 =	vld [tilespmem:s1+$0x100]  }
0x25: {  	v5 =	vld [tilespmem:s1+$0x110]  }
0x26: {  	v7 =	vld [tilespmem:s1+$0x120]  }
0x27: {  	v9 =	vld [tilespmem:s1+$0x130]  }
0x28: {  	v2 =	vld [tilespmem:s1+$0x140]  }
0x29: {  	v1 =	vld [tilespmem:s1+$0x150]  }
0x2a: {  	v0 =	vld [tilespmem:s1+$0x160]  }
0x2b: {  	v10 =	vld.idx.msk [tilespmem:v3+s16+$0x0], $0xffff  }
0x2c: {  	v11 =	vld.idx.msk [tilespmem:v4+s3+$0x0], $0xffff  }
0x2d: {  	v4 =	vld.idx.msk [tilespmem:v4+s16+$0x0], $0xffff  }
0x2e: {  	s8 =	simm.s32 $0x0;
	v12 =	vld.idx.msk [tilespmem:v5+s3+$0x0], $0xffff  }
0x2f: {  	s2 =	sshll.u32 s2, $0x5;
	s1 =	sand.u32 $0x3FFFFC00, s8;
	v13 =	vld.idx.msk [tilespmem:v5+s16+$0x0], $0xffff  }
0x30: {  	s2 =	sor.u32 s2, s1;
	v6 =	vld.idx.msk [tilespmem:v3+s3+$0x0], $0xffff  }
0x31: {  	v8 =	vld.idx.msk [tilespmem:v7+s3+$0x0], $0xffff;
	[tilespmem:s2+$0xA1F0] =	vst v10  }
0x32: {  	v7 =	vld.idx.msk [tilespmem:v7+s16+$0x0], $0xffff;
	[tilespmem:s2+$0xA100] =	vst v11  }
0x33: {  	v5 =	vld.idx.msk [tilespmem:v9+s3+$0x0], $0xffff;
	[tilespmem:s2+$0xA180] =	vst v4  }
0x34: {  	v3 =	vld.idx.msk [tilespmem:v2+s3+$0x0], $0xffff;
	[tilespmem:s2+$0xA110] =	vst v12  }
0x35: {  	v4 =	vld.idx.msk [tilespmem:v9+s16+$0x0], $0xffff;
	[tilespmem:s2+$0xA190] =	vst v13  }
.LBB2_2:
0x36: {  	s0 =	sadd.s32 $0x8, s0;
	[tilespmem:s2+$0xA120] =	vst v8;
	v2 =	vld.idx.msk [tilespmem:v2+s16+$0x0], $0xffff  }
0x37: {  	s1 =	sand.u32 $0x18, s0;
	s4 =	sshll.u32 s0, $0x4;
	p0 =	slt.u32 s0, $0x4F8;
	v8 =	vld.idx.msk [tilespmem:v1+s3+$0x0], $0xffff;
	[tilespmem:s2+$0xA170] =	vst v6  }
0x38: {  	s7 =	sshll.u32 s0, $0x2;
	s4 =	sand.u32 $0x7000, s4;
	s8 =	sshll.u32 s1, $0x7;
	[tilespmem:s2+$0xA1A0] =	vst v7;
	v1 =	vld.idx.msk [tilespmem:v1+s16+$0x0], $0xffff  }
0x39: {  	s7 =	sand.u32 $0x380, s7;
	s4 =	sor.u32 s8, s4;
	[tilespmem:s2+$0xA130] =	vst v5;
	v5 =	vld.idx.msk [tilespmem:v0+s3+$0x0], $0xffff  }
0x3a: {  	s4 =	sor.u32 s4, s7;
	[tilespmem:s2+$0xA1B0] =	vst v4;
	v0 =	vld.idx.msk [tilespmem:v0+s16+$0x0], $0xffff  }
0x3b: {  	v4 =	vld [tilespmem:s4+$0x170];
	[tilespmem:s2+$0xA140] =	vst v3  }
0x3c: {  	v3 =	vld [tilespmem:s4+$0x100];
	[tilespmem:s2+$0xA1C0] =	vst v2  }
0x3d: {  	v6 =	vld [tilespmem:s4+$0x110];
	[tilespmem:s2+$0xA150] =	vst v8  }
0x3e: {  	v7 =	vld [tilespmem:s4+$0x120];
	[tilespmem:s2+$0xA1D0] =	vst v1  }
0x3f: {  	v9 =	vld [tilespmem:s4+$0x130];
	[tilespmem:s2+$0xA160] =	vst v5  }
0x40: {  	v2 =	vld [tilespmem:s4+$0x140];
	[tilespmem:s2+$0xA1E0] =	vst v0  }
0x41: {  	v1 =	vld [tilespmem:s4+$0x150]  }
0x42: {  	v0 =	vld [tilespmem:s4+$0x160]  }
0x43: {  	v5 =	vld.idx.msk [tilespmem:v4+s16+$0x0], $0xffff  }
0x44: {  	v10 =	vld.idx.msk [tilespmem:v3+s3+$0x0], $0xffff  }
0x45: {  	v3 =	vld.idx.msk [tilespmem:v3+s16+$0x0], $0xffff  }
0x46: {  	s2 =	sshll.u32 s0, $0x5;
	v11 =	vld.idx.msk [tilespmem:v6+s3+$0x0], $0xffff  }
0x47: {  	s1 =	sshll.u32 s1, $0x5;
	s2 =	sand.u32 $0x3FFFFC00, s2;
	v12 =	vld.idx.msk [tilespmem:v6+s16+$0x0], $0xffff  }
0x48: {  	s2 =	sor.u32 s1, s2;
	v8 =	vld.idx.msk [tilespmem:v7+s3+$0x0], $0xffff  }
.Ltmp0:
0x49: {  	v6 =	vld.idx.msk [tilespmem:v4+s3+$0x0], $0xffff;
	[tilespmem:s2+$0xA1F0] =	vst v5;
	(pc) =	sbr.rel @p0 .LBB2_2-.Ltmp0, $4  }
0x4a: {  	[tilespmem:s2+$0xA100] =	vst v10;
	v7 =	vld.idx.msk [tilespmem:v7+s16+$0x0], $0xffff  }
0x4b: {  	[tilespmem:s2+$0xA180] =	vst v3;
	v5 =	vld.idx.msk [tilespmem:v9+s3+$0x0], $0xffff  }
0x4c: {  	[tilespmem:s2+$0xA110] =	vst v11;
	v4 =	vld.idx.msk [tilespmem:v9+s16+$0x0], $0xffff  }
0x4d: {  	[tilespmem:s2+$0xA190] =	vst v12;
	v3 =	vld.idx.msk [tilespmem:v2+s3+$0x0], $0xffff  }
0x4e: {  	_ =	sdelay $0x2  }
0x4f: {  	[tilespmem:s2+$0xA120] =	vst v8  }
0x50: {  	v2 =	vld.idx.msk [tilespmem:v2+s16+$0x0], $0xffff;
	[tilespmem:s2+$0xA170] =	vst v6  }
0x51: {  	v6 =	vld.idx.msk [tilespmem:v1+s3+$0x0], $0xffff;
	[tilespmem:s2+$0xA1A0] =	vst v7  }
0x52: {  	v1 =	vld.idx.msk [tilespmem:v1+s16+$0x0], $0xffff;
	[tilespmem:s2+$0xA130] =	vst v5  }
0x53: {  	v5 =	vld.idx.msk [tilespmem:v0+s3+$0x0], $0xffff;
	[tilespmem:s2+$0xA1B0] =	vst v4  }
0x54: {  	v0 =	vld.idx.msk [tilespmem:v0+s16+$0x0], $0xffff;
	[tilespmem:s2+$0xA140] =	vst v3  }
0x55: {  	[tilespmem:s2+$0xA1C0] =	vst v2  }
0x56: {  	[tilespmem:s2+$0xA150] =	vst v6  }
0x57: {  	[tilespmem:s2+$0xA1D0] =	vst v1  }
0x58: {  	[tilespmem:s2+$0xA160] =	vst v5  }
0x59: {  	[tilespmem:s2+$0xA1E0] =	vst v0  }
0x5a: {  	[hbm4b:s6+s23] =	stream.strided.scatter [tilespmem:s25], [sflag:$0x3], $0xA000, s24, s23, $0x38;
	[tilespmem:$0x1E100] =	vst v63  }
0x5b: {  	s0 =	rddreg [dreg:$0x6]  }
0x5c: {  	[tilespmem:s19], [sflag:$0x1] =	stream.strided.gather [hbm4b:s0+s17], $0x5000, s18, s17, $0x38;
	[tilespmem:$0x1E100] =	vst v63  }
0x5d: {  	s0 =	simm.s32 $0x0  }
0x5e: {  	s7 =	simm.s32 $0x0;
	s4 =	simm.s32 $0x0;
	s1 =	sand.u32 $0x18, s0  }
0x5f: {  	s2 =	sand.u32 $0x7000, s7;
	_ =	swait.ge [sflag:s26], $0x5000;
	s7 =	sshll.u32 s1, $0x7  }
0x60: {  	s4 =	sand.u32 $0x380, s4;
	[sflag:s26] =	ssyncset.done $0x0;
	s2 =	sor.u32 s7, s2  }
0x61: {  	[sflag:s26] =	ssyncadd.s32 $0xFFFFB000;
	s2 =	sor.u32 s4, s2  }
0x62: {  	v3 =	vld [tilespmem:s2+$0x5170]  }
0x63: {  	v4 =	vld [tilespmem:s2+$0x5100]  }
0x64: {  	v5 =	vld [tilespmem:s2+$0x5110]  }
0x65: {  	v7 =	vld [tilespmem:s2+$0x5120]  }
0x66: {  	v9 =	vld [tilespmem:s2+$0x5130]  }
0x67: {  	v2 =	vld [tilespmem:s2+$0x5140]  }
0x68: {  	v1 =	vld [tilespmem:s2+$0x5150]  }
0x69: {  	v0 =	vld [tilespmem:s2+$0x5160]  }
0x6a: {  	v10 =	vld.idx.msk [tilespmem:v3+s16+$0x0], $0xffff  }
0x6b: {  	v11 =	vld.idx.msk [tilespmem:v4+s3+$0x0], $0xffff  }
0x6c: {  	s8 =	simm.s32 $0x0;
	v4 =	vld.idx.msk [tilespmem:v4+s16+$0x0], $0xffff  }
0x6d: {  	s1 =	sshll.u32 s1, $0x5;
	s2 =	sand.u32 $0x3FFFFC00, s8;
	v12 =	vld.idx.msk [tilespmem:v5+s3+$0x0], $0xffff  }
0x6e: {  	s1 =	sor.u32 s1, s2;
	v13 =	vld.idx.msk [tilespmem:v5+s16+$0x0], $0xffff  }
0x6f: {  	s2 =	sadd.s32 $0x14100, s1;
	v6 =	vld.idx.msk [tilespmem:v3+s3+$0x0], $0xffff  }
0x70: {  	v8 =	vld.idx.msk [tilespmem:v7+s3+$0x0], $0xffff;
	[tilespmem:s2+$0xF0] =	vst v10  }
0x71: {  	v7 =	vld.idx.msk [tilespmem:v7+s16+$0x0], $0xffff;
	[tilespmem:s1+$0x14100] =	vst v11  }
0x72: {  	v5 =	vld.idx.msk [tilespmem:v9+s3+$0x0], $0xffff;
	[tilespmem:s2+$0x10] =	vst v12  }
0x73: {  	v3 =	vld.idx.msk [tilespmem:v2+s3+$0x0], $0xffff;
	[tilespmem:s2+$0x90] =	vst v13  }
0x74: {  	[tilespmem:s2+$0x80] =	vst v4;
	v4 =	vld.idx.msk [tilespmem:v9+s16+$0x0], $0xffff  }
.LBB2_4:
0x75: {  	s0 =	sadd.s32 $0x8, s0;
	[tilespmem:s2+$0x20] =	vst v8;
	v2 =	vld.idx.msk [tilespmem:v2+s16+$0x0], $0xffff  }
0x76: {  	s1 =	sand.u32 $0x18, s0;
	s4 =	sshll.u32 s0, $0x4;
	p0 =	slt.u32 s0, $0x4F8;
	v8 =	vld.idx.msk [tilespmem:v1+s3+$0x0], $0xffff;
	[tilespmem:s2+$0x70] =	vst v6  }
0x77: {  	s7 =	sshll.u32 s0, $0x2;
	s4 =	sand.u32 $0x7000, s4;
	s8 =	sshll.u32 s1, $0x7;
	[tilespmem:s2+$0xA0] =	vst v7;
	v1 =	vld.idx.msk [tilespmem:v1+s16+$0x0], $0xffff  }
0x78: {  	s7 =	sand.u32 $0x380, s7;
	s4 =	sor.u32 s8, s4;
	[tilespmem:s2+$0x30] =	vst v5;
	v5 =	vld.idx.msk [tilespmem:v0+s3+$0x0], $0xffff  }
0x79: {  	s4 =	sor.u32 s7, s4;
	[tilespmem:s2+$0xB0] =	vst v4;
	v0 =	vld.idx.msk [tilespmem:v0+s16+$0x0], $0xffff  }
0x7a: {  	v4 =	vld [tilespmem:s4+$0x5170];
	[tilespmem:s2+$0x40] =	vst v3  }
0x7b: {  	v3 =	vld [tilespmem:s4+$0x5100];
	[tilespmem:s2+$0xC0] =	vst v2  }
0x7c: {  	v6 =	vld [tilespmem:s4+$0x5110];
	[tilespmem:s2+$0x50] =	vst v8  }
0x7d: {  	v7 =	vld [tilespmem:s4+$0x5120];
	[tilespmem:s2+$0xD0] =	vst v1  }
0x7e: {  	v9 =	vld [tilespmem:s4+$0x5130];
	[tilespmem:s2+$0x60] =	vst v5  }
0x7f: {  	v2 =	vld [tilespmem:s4+$0x5140];
	[tilespmem:s2+$0xE0] =	vst v0  }
0x80: {  	v1 =	vld [tilespmem:s4+$0x5150]  }
0x81: {  	v0 =	vld [tilespmem:s4+$0x5160]  }
0x82: {  	v5 =	vld.idx.msk [tilespmem:v4+s16+$0x0], $0xffff  }
0x83: {  	v10 =	vld.idx.msk [tilespmem:v3+s3+$0x0], $0xffff  }
0x84: {  	s2 =	sshll.u32 s0, $0x5;
	v3 =	vld.idx.msk [tilespmem:v3+s16+$0x0], $0xffff  }
0x85: {  	s1 =	sshll.u32 s1, $0x5;
	s2 =	sand.u32 $0x3FFFFC00, s2;
	v11 =	vld.idx.msk [tilespmem:v6+s3+$0x0], $0xffff  }
0x86: {  	s1 =	sor.u32 s1, s2;
	v12 =	vld.idx.msk [tilespmem:v6+s16+$0x0], $0xffff  }
0x87: {  	s2 =	sadd.s32 $0x14100, s1;
	v8 =	vld.idx.msk [tilespmem:v7+s3+$0x0], $0xffff  }
.Ltmp1:
0x88: {  	v6 =	vld.idx.msk [tilespmem:v4+s3+$0x0], $0xffff;
	[tilespmem:s2+$0xF0] =	vst v5;
	(pc) =	sbr.rel @p0 .LBB2_4-.Ltmp1, $4  }
0x89: {  	[tilespmem:s1+$0x14100] =	vst v10;
	v7 =	vld.idx.msk [tilespmem:v7+s16+$0x0], $0xffff  }
0x8a: {  	[tilespmem:s2+$0x80] =	vst v3;
	v5 =	vld.idx.msk [tilespmem:v9+s3+$0x0], $0xffff  }
0x8b: {  	[tilespmem:s2+$0x10] =	vst v11;
	v4 =	vld.idx.msk [tilespmem:v9+s16+$0x0], $0xffff  }
0x8c: {  	[tilespmem:s2+$0x90] =	vst v12;
	v3 =	vld.idx.msk [tilespmem:v2+s3+$0x0], $0xffff  }
0x8d: {  	_ =	sdelay $0x2  }
0x8e: {  	[tilespmem:s2+$0x20] =	vst v8  }
0x8f: {  	v2 =	vld.idx.msk [tilespmem:v2+s16+$0x0], $0xffff;
	[tilespmem:s2+$0x70] =	vst v6  }
0x90: {  	v6 =	vld.idx.msk [tilespmem:v1+s3+$0x0], $0xffff;
	[tilespmem:s2+$0xA0] =	vst v7  }
0x91: {  	v1 =	vld.idx.msk [tilespmem:v1+s16+$0x0], $0xffff;
	[tilespmem:s2+$0x30] =	vst v5  }
0x92: {  	v5 =	vld.idx.msk [tilespmem:v0+s3+$0x0], $0xffff;
	[tilespmem:s2+$0xB0] =	vst v4  }
0x93: {  	v0 =	vld.idx.msk [tilespmem:v0+s16+$0x0], $0xffff;
	[tilespmem:s2+$0x40] =	vst v3  }
0x94: {  	[tilespmem:s2+$0xC0] =	vst v2  }
0x95: {  	[tilespmem:s2+$0x50] =	vst v6  }
0x96: {  	[tilespmem:s2+$0xD0] =	vst v1  }
0x97: {  	[tilespmem:s2+$0x60] =	vst v5  }
0x98: {  	[tilespmem:s2+$0xE0] =	vst v0  }
0x99: {  	[hbm4b:s9+s23] =	stream.strided.scatter [tilespmem:s28], [sflag:$0x4], $0xA000, s24, s23, $0x38;
	[tilespmem:$0x1E100] =	vst v63  }
0x9a: {  	_ = 	snop  }
0x9b: {  	[tilespmem:s20], [sflag:$0x2] =	stream.strided.gather [hbm4b:s10+s17], $0x5000, s18, s17, $0x38;
	[tilespmem:$0x1E100] =	vst v63  }
0x9c: {  	_ =	swait.ge [sflag:s22], $0x5000  }
0x9d: {  	s0 =	simm.s32 $0x0;
	s7 =	simm.s32 $0x0;
	[sflag:s22] =	ssyncset.done $0x0  }
0x9e: {  	s4 =	simm.s32 $0x0;
	s1 =	sand.u32 $0x18, s0;
	[sflag:s22] =	ssyncadd.s32 $0xFFFFB000  }
0x9f: {  	s2 =	sand.u32 $0x7000, s7;
	s7 =	sshll.u32 s1, $0x7;
	_ =	swait.ge [sflag:s29], $0xA000  }
0xa0: {  	s4 =	sand.u32 $0x380, s4;
	s2 =	sor.u32 s7, s2;
	[sflag:s29] =	ssyncset.done $0x0  }
0xa1: {  	s2 =	sor.u32 s2, s4;
	[sflag:s29] =	ssyncadd.s32 $0xFFFF6000  }
0xa2: {  	v3 =	vld [tilespmem:s2+$0x170]  }
0xa3: {  	v4 =	vld [tilespmem:s2+$0x100]  }
0xa4: {  	v5 =	vld [tilespmem:s2+$0x110]  }
0xa5: {  	v7 =	vld [tilespmem:s2+$0x120]  }
0xa6: {  	v9 =	vld [tilespmem:s2+$0x130]  }
0xa7: {  	v2 =	vld [tilespmem:s2+$0x140]  }
0xa8: {  	v1 =	vld [tilespmem:s2+$0x150]  }
0xa9: {  	v0 =	vld [tilespmem:s2+$0x160]  }
0xaa: {  	v10 =	vld.idx.msk [tilespmem:v3+s16+$0x0], $0xffff  }
0xab: {  	v11 =	vld.idx.msk [tilespmem:v4+s3+$0x0], $0xffff  }
0xac: {  	v4 =	vld.idx.msk [tilespmem:v4+s16+$0x0], $0xffff  }
0xad: {  	s8 =	simm.s32 $0x0;
	v12 =	vld.idx.msk [tilespmem:v5+s3+$0x0], $0xffff  }
0xae: {  	s1 =	sshll.u32 s1, $0x5;
	s2 =	sand.u32 $0x3FFFFC00, s8;
	v13 =	vld.idx.msk [tilespmem:v5+s16+$0x0], $0xffff  }
0xaf: {  	s2 =	sor.u32 s1, s2;
	v6 =	vld.idx.msk [tilespmem:v3+s3+$0x0], $0xffff  }
0xb0: {  	v8 =	vld.idx.msk [tilespmem:v7+s3+$0x0], $0xffff;
	[tilespmem:s2+$0xA1F0] =	vst v10  }
0xb1: {  	v7 =	vld.idx.msk [tilespmem:v7+s16+$0x0], $0xffff;
	[tilespmem:s2+$0xA100] =	vst v11  }
0xb2: {  	v5 =	vld.idx.msk [tilespmem:v9+s3+$0x0], $0xffff;
	[tilespmem:s2+$0xA180] =	vst v4  }
0xb3: {  	v3 =	vld.idx.msk [tilespmem:v2+s3+$0x0], $0xffff;
	[tilespmem:s2+$0xA110] =	vst v12  }
0xb4: {  	v4 =	vld.idx.msk [tilespmem:v9+s16+$0x0], $0xffff;
	[tilespmem:s2+$0xA190] =	vst v13  }
.LBB2_6:
0xb5: {  	s0 =	sadd.s32 $0x8, s0;
	[tilespmem:s2+$0xA120] =	vst v8;
	v2 =	vld.idx.msk [tilespmem:v2+s16+$0x0], $0xffff  }
0xb6: {  	s1 =	sand.u32 $0x18, s0;
	s4 =	sshll.u32 s0, $0x4;
	p0 =	slt.u32 s0, $0x4F8;
	v8 =	vld.idx.msk [tilespmem:v1+s3+$0x0], $0xffff;
	[tilespmem:s2+$0xA170] =	vst v6  }
0xb7: {  	s7 =	sshll.u32 s0, $0x2;
	s4 =	sand.u32 $0x7000, s4;
	s8 =	sshll.u32 s1, $0x7;
	[tilespmem:s2+$0xA1A0] =	vst v7;
	v1 =	vld.idx.msk [tilespmem:v1+s16+$0x0], $0xffff  }
0xb8: {  	s7 =	sand.u32 $0x380, s7;
	s4 =	sor.u32 s8, s4;
	[tilespmem:s2+$0xA130] =	vst v5;
	v5 =	vld.idx.msk [tilespmem:v0+s3+$0x0], $0xffff  }
0xb9: {  	s4 =	sor.u32 s4, s7;
	[tilespmem:s2+$0xA1B0] =	vst v4;
	v0 =	vld.idx.msk [tilespmem:v0+s16+$0x0], $0xffff  }
0xba: {  	v4 =	vld [tilespmem:s4+$0x170];
	[tilespmem:s2+$0xA140] =	vst v3  }
0xbb: {  	v3 =	vld [tilespmem:s4+$0x100];
	[tilespmem:s2+$0xA1C0] =	vst v2  }
0xbc: {  	v6 =	vld [tilespmem:s4+$0x110];
	[tilespmem:s2+$0xA150] =	vst v8  }
0xbd: {  	v7 =	vld [tilespmem:s4+$0x120];
	[tilespmem:s2+$0xA1D0] =	vst v1  }
0xbe: {  	v9 =	vld [tilespmem:s4+$0x130];
	[tilespmem:s2+$0xA160] =	vst v5  }
0xbf: {  	v2 =	vld [tilespmem:s4+$0x140];
	[tilespmem:s2+$0xA1E0] =	vst v0  }
0xc0: {  	v1 =	vld [tilespmem:s4+$0x150]  }
0xc1: {  	v0 =	vld [tilespmem:s4+$0x160]  }
0xc2: {  	v5 =	vld.idx.msk [tilespmem:v4+s16+$0x0], $0xffff  }
0xc3: {  	v10 =	vld.idx.msk [tilespmem:v3+s3+$0x0], $0xffff  }
0xc4: {  	v3 =	vld.idx.msk [tilespmem:v3+s16+$0x0], $0xffff  }
0xc5: {  	s2 =	sshll.u32 s0, $0x5;
	v11 =	vld.idx.msk [tilespmem:v6+s3+$0x0], $0xffff  }
0xc6: {  	s1 =	sshll.u32 s1, $0x5;
	s2 =	sand.u32 $0x3FFFFC00, s2;
	v12 =	vld.idx.msk [tilespmem:v6+s16+$0x0], $0xffff  }
0xc7: {  	s2 =	sor.u32 s1, s2;
	v8 =	vld.idx.msk [tilespmem:v7+s3+$0x0], $0xffff  }
.Ltmp2:
0xc8: {  	v6 =	vld.idx.msk [tilespmem:v4+s3+$0x0], $0xffff;
	[tilespmem:s2+$0xA1F0] =	vst v5;
	(pc) =	sbr.rel @p0 .LBB2_6-.Ltmp2, $4  }
0xc9: {  	[tilespmem:s2+$0xA100] =	vst v10;
	v7 =	vld.idx.msk [tilespmem:v7+s16+$0x0], $0xffff  }
0xca: {  	[tilespmem:s2+$0xA180] =	vst v3;
	v5 =	vld.idx.msk [tilespmem:v9+s3+$0x0], $0xffff  }
0xcb: {  	[tilespmem:s2+$0xA110] =	vst v11;
	v4 =	vld.idx.msk [tilespmem:v9+s16+$0x0], $0xffff  }
0xcc: {  	[tilespmem:s2+$0xA190] =	vst v12;
	v3 =	vld.idx.msk [tilespmem:v2+s3+$0x0], $0xffff  }
0xcd: {  	_ =	sdelay $0x2  }
0xce: {  	[tilespmem:s2+$0xA120] =	vst v8  }
0xcf: {  	v2 =	vld.idx.msk [tilespmem:v2+s16+$0x0], $0xffff;
	[tilespmem:s2+$0xA170] =	vst v6  }
0xd0: {  	v6 =	vld.idx.msk [tilespmem:v1+s3+$0x0], $0xffff;
	[tilespmem:s2+$0xA1A0] =	vst v7  }
0xd1: {  	v1 =	vld.idx.msk [tilespmem:v1+s16+$0x0], $0xffff;
	[tilespmem:s2+$0xA130] =	vst v5  }
0xd2: {  	v5 =	vld.idx.msk [tilespmem:v0+s3+$0x0], $0xffff;
	[tilespmem:s2+$0xA1B0] =	vst v4  }
0xd3: {  	v0 =	vld.idx.msk [tilespmem:v0+s16+$0x0], $0xffff;
	[tilespmem:s2+$0xA140] =	vst v3  }
0xd4: {  	[tilespmem:s2+$0xA1C0] =	vst v2  }
0xd5: {  	[tilespmem:s2+$0xA150] =	vst v6  }
0xd6: {  	[tilespmem:s2+$0xA1D0] =	vst v1  }
0xd7: {  	[tilespmem:s2+$0xA160] =	vst v5  }
0xd8: {  	[tilespmem:s2+$0xA1E0] =	vst v0  }
0xd9: {  	[hbm4b:s11+s23] =	stream.strided.scatter [tilespmem:s25], [sflag:$0x3], $0xA000, s24, s23, $0x38;
	[tilespmem:$0x1E100] =	vst v63  }
0xda: {  	_ = 	snop  }
0xdb: {  	[tilespmem:s19], [sflag:$0x1] =	stream.strided.gather [hbm4b:s12+s17], $0x5000, s18, s17, $0x38;
	[tilespmem:$0x1E100] =	vst v63  }
0xdc: {  	_ =	swait.ge [sflag:s26], $0x5000  }
0xdd: {  	s0 =	simm.s32 $0x0;
	s7 =	simm.s32 $0x0;
	[sflag:s26] =	ssyncset.done $0x0  }
0xde: {  	s4 =	simm.s32 $0x0;
	s1 =	sand.u32 $0x18, s0;
	[sflag:s26] =	ssyncadd.s32 $0xFFFFB000  }
0xdf: {  	s2 =	sand.u32 $0x7000, s7;
	s7 =	sshll.u32 s1, $0x7;
	_ =	swait.ge [sflag:s30], $0xA000  }
0xe0: {  	s4 =	sand.u32 $0x380, s4;
	s2 =	sor.u32 s7, s2;
	[sflag:s30] =	ssyncset.done $0x0  }
0xe1: {  	s2 =	sor.u32 s4, s2;
	[sflag:s30] =	ssyncadd.s32 $0xFFFF6000  }
0xe2: {  	v3 =	vld [tilespmem:s2+$0x5170]  }
0xe3: {  	v4 =	vld [tilespmem:s2+$0x5100]  }
0xe4: {  	v5 =	vld [tilespmem:s2+$0x5110]  }
0xe5: {  	v7 =	vld [tilespmem:s2+$0x5120]  }
0xe6: {  	v9 =	vld [tilespmem:s2+$0x5130]  }
0xe7: {  	v2 =	vld [tilespmem:s2+$0x5140]  }
0xe8: {  	v1 =	vld [tilespmem:s2+$0x5150]  }
0xe9: {  	v0 =	vld [tilespmem:s2+$0x5160]  }
0xea: {  	v10 =	vld.idx.msk [tilespmem:v3+s16+$0x0], $0xffff  }
0xeb: {  	v11 =	vld.idx.msk [tilespmem:v4+s3+$0x0], $0xffff  }
0xec: {  	s8 =	simm.s32 $0x0;
	v4 =	vld.idx.msk [tilespmem:v4+s16+$0x0], $0xffff  }
0xed: {  	s1 =	sshll.u32 s1, $0x5;
	s2 =	sand.u32 $0x3FFFFC00, s8;
	v12 =	vld.idx.msk [tilespmem:v5+s3+$0x0], $0xffff  }
0xee: {  	s1 =	sor.u32 s1, s2;
	v13 =	vld.idx.msk [tilespmem:v5+s16+$0x0], $0xffff  }
0xef: {  	s2 =	sadd.s32 $0x14100, s1;
	v6 =	vld.idx.msk [tilespmem:v3+s3+$0x0], $0xffff  }
0xf0: {  	v8 =	vld.idx.msk [tilespmem:v7+s3+$0x0], $0xffff;
	[tilespmem:s2+$0xF0] =	vst v10  }
0xf1: {  	v7 =	vld.idx.msk [tilespmem:v7+s16+$0x0], $0xffff;
	[tilespmem:s1+$0x14100] =	vst v11  }
0xf2: {  	v5 =	vld.idx.msk [tilespmem:v9+s3+$0x0], $0xffff;
	[tilespmem:s2+$0x10] =	vst v12  }
0xf3: {  	v3 =	vld.idx.msk [tilespmem:v2+s3+$0x0], $0xffff;
	[tilespmem:s2+$0x90] =	vst v13  }
0xf4: {  	[tilespmem:s2+$0x80] =	vst v4;
	v4 =	vld.idx.msk [tilespmem:v9+s16+$0x0], $0xffff  }
.LBB2_8:
0xf5: {  	s0 =	sadd.s32 $0x8, s0;
	[tilespmem:s2+$0x20] =	vst v8;
	v2 =	vld.idx.msk [tilespmem:v2+s16+$0x0], $0xffff  }
0xf6: {  	s1 =	sand.u32 $0x18, s0;
	s4 =	sshll.u32 s0, $0x4;
	p0 =	slt.u32 s0, $0x4F8;
	v8 =	vld.idx.msk [tilespmem:v1+s3+$0x0], $0xffff;
	[tilespmem:s2+$0x70] =	vst v6  }
0xf7: {  	s7 =	sshll.u32 s0, $0x2;
	s4 =	sand.u32 $0x7000, s4;
	s8 =	sshll.u32 s1, $0x7;
	[tilespmem:s2+$0xA0] =	vst v7;
	v1 =	vld.idx.msk [tilespmem:v1+s16+$0x0], $0xffff  }
0xf8: {  	s7 =	sand.u32 $0x380, s7;
	s4 =	sor.u32 s8, s4;
	[tilespmem:s2+$0x30] =	vst v5;
	v5 =	vld.idx.msk [tilespmem:v0+s3+$0x0], $0xffff  }
0xf9: {  	s4 =	sor.u32 s7, s4;
	[tilespmem:s2+$0xB0] =	vst v4;
	v0 =	vld.idx.msk [tilespmem:v0+s16+$0x0], $0xffff  }
0xfa: {  	v4 =	vld [tilespmem:s4+$0x5170];
	[tilespmem:s2+$0x40] =	vst v3  }
0xfb: {  	v3 =	vld [tilespmem:s4+$0x5100];
	[tilespmem:s2+$0xC0] =	vst v2  }
0xfc: {  	v6 =	vld [tilespmem:s4+$0x5110];
	[tilespmem:s2+$0x50] =	vst v8  }
0xfd: {  	v7 =	vld [tilespmem:s4+$0x5120];
	[tilespmem:s2+$0xD0] =	vst v1  }
0xfe: {  	v9 =	vld [tilespmem:s4+$0x5130];
	[tilespmem:s2+$0x60] =	vst v5  }
0xff: {  	v2 =	vld [tilespmem:s4+$0x5140];
	[tilespmem:s2+$0xE0] =	vst v0  }
0x100: {  	v1 =	vld [tilespmem:s4+$0x5150]  }
0x101: {  	v0 =	vld [tilespmem:s4+$0x5160]  }
0x102: {  	v5 =	vld.idx.msk [tilespmem:v4+s16+$0x0], $0xffff  }
0x103: {  	v10 =	vld.idx.msk [tilespmem:v3+s3+$0x0], $0xffff  }
0x104: {  	s2 =	sshll.u32 s0, $0x5;
	v3 =	vld.idx.msk [tilespmem:v3+s16+$0x0], $0xffff  }
0x105: {  	s1 =	sshll.u32 s1, $0x5;
	s2 =	sand.u32 $0x3FFFFC00, s2;
	v11 =	vld.idx.msk [tilespmem:v6+s3+$0x0], $0xffff  }
0x106: {  	s1 =	sor.u32 s1, s2;
	v12 =	vld.idx.msk [tilespmem:v6+s16+$0x0], $0xffff  }
0x107: {  	s2 =	sadd.s32 $0x14100, s1;
	v8 =	vld.idx.msk [tilespmem:v7+s3+$0x0], $0xffff  }
.Ltmp3:
0x108: {  	v6 =	vld.idx.msk [tilespmem:v4+s3+$0x0], $0xffff;
	[tilespmem:s2+$0xF0] =	vst v5;
	(pc) =	sbr.rel @p0 .LBB2_8-.Ltmp3, $4  }
0x109: {  	[tilespmem:s1+$0x14100] =	vst v10;
	v7 =	vld.idx.msk [tilespmem:v7+s16+$0x0], $0xffff  }
0x10a: {  	[tilespmem:s2+$0x80] =	vst v3;
	v5 =	vld.idx.msk [tilespmem:v9+s3+$0x0], $0xffff  }
0x10b: {  	[tilespmem:s2+$0x10] =	vst v11;
	v4 =	vld.idx.msk [tilespmem:v9+s16+$0x0], $0xffff  }
0x10c: {  	[tilespmem:s2+$0x90] =	vst v12;
	v3 =	vld.idx.msk [tilespmem:v2+s3+$0x0], $0xffff  }
0x10d: {  	_ =	sdelay $0x2  }
0x10e: {  	[tilespmem:s2+$0x20] =	vst v8  }
0x10f: {  	v2 =	vld.idx.msk [tilespmem:v2+s16+$0x0], $0xffff;
	[tilespmem:s2+$0x70] =	vst v6  }
0x110: {  	v6 =	vld.idx.msk [tilespmem:v1+s3+$0x0], $0xffff;
	[tilespmem:s2+$0xA0] =	vst v7  }
0x111: {  	v1 =	vld.idx.msk [tilespmem:v1+s16+$0x0], $0xffff;
	[tilespmem:s2+$0x30] =	vst v5  }
0x112: {  	v5 =	vld.idx.msk [tilespmem:v0+s3+$0x0], $0xffff;
	[tilespmem:s2+$0xB0] =	vst v4  }
0x113: {  	v0 =	vld.idx.msk [tilespmem:v0+s16+$0x0], $0xffff;
	[tilespmem:s2+$0x40] =	vst v3  }
0x114: {  	[tilespmem:s2+$0xC0] =	vst v2  }
0x115: {  	[tilespmem:s2+$0x50] =	vst v6  }
0x116: {  	[tilespmem:s2+$0xD0] =	vst v1  }
0x117: {  	[tilespmem:s2+$0x60] =	vst v5  }
0x118: {  	[tilespmem:s2+$0xE0] =	vst v0  }
0x119: {  	[hbm4b:s13+s23] =	stream.strided.scatter [tilespmem:s28], [sflag:$0x4], $0xA000, s24, s23, $0x38;
	[tilespmem:$0x1E100] =	vst v63  }
0x11a: {  	_ =	swait.ge [sflag:s22], $0x5000  }
0x11b: {  	s0 =	simm.s32 $0x0;
	s7 =	simm.s32 $0x0;
	[sflag:s22] =	ssyncset.done $0x0  }
0x11c: {  	s4 =	simm.s32 $0x0;
	s1 =	sand.u32 $0x18, s0;
	[sflag:s22] =	ssyncadd.s32 $0xFFFFB000  }
0x11d: {  	s2 =	sand.u32 $0x7000, s7;
	s7 =	sshll.u32 s1, $0x7;
	_ =	swait.ge [sflag:s29], $0xA000  }
0x11e: {  	s4 =	sand.u32 $0x380, s4;
	s2 =	sor.u32 s7, s2;
	[sflag:s29] =	ssyncset.done $0x0  }
0x11f: {  	s2 =	sor.u32 s2, s4;
	[sflag:s29] =	ssyncadd.s32 $0xFFFF6000  }
0x120: {  	v3 =	vld [tilespmem:s2+$0x170]  }
0x121: {  	v4 =	vld [tilespmem:s2+$0x100]  }
0x122: {  	v5 =	vld [tilespmem:s2+$0x110]  }
0x123: {  	v7 =	vld [tilespmem:s2+$0x120]  }
0x124: {  	v9 =	vld [tilespmem:s2+$0x130]  }
0x125: {  	v2 =	vld [tilespmem:s2+$0x140]  }
0x126: {  	v1 =	vld [tilespmem:s2+$0x150]  }
0x127: {  	v0 =	vld [tilespmem:s2+$0x160]  }
0x128: {  	v10 =	vld.idx.msk [tilespmem:v3+s16+$0x0], $0xffff  }
0x129: {  	v11 =	vld.idx.msk [tilespmem:v4+s3+$0x0], $0xffff  }
0x12a: {  	v4 =	vld.idx.msk [tilespmem:v4+s16+$0x0], $0xffff  }
0x12b: {  	s8 =	simm.s32 $0x0;
	v12 =	vld.idx.msk [tilespmem:v5+s3+$0x0], $0xffff  }
0x12c: {  	s1 =	sshll.u32 s1, $0x5;
	s2 =	sand.u32 $0x3FFFFC00, s8;
	v13 =	vld.idx.msk [tilespmem:v5+s16+$0x0], $0xffff  }
0x12d: {  	s2 =	sor.u32 s1, s2;
	v6 =	vld.idx.msk [tilespmem:v3+s3+$0x0], $0xffff  }
0x12e: {  	v8 =	vld.idx.msk [tilespmem:v7+s3+$0x0], $0xffff;
	[tilespmem:s2+$0xA1F0] =	vst v10  }
0x12f: {  	v7 =	vld.idx.msk [tilespmem:v7+s16+$0x0], $0xffff;
	[tilespmem:s2+$0xA100] =	vst v11  }
0x130: {  	v5 =	vld.idx.msk [tilespmem:v9+s3+$0x0], $0xffff;
	[tilespmem:s2+$0xA180] =	vst v4  }
0x131: {  	v3 =	vld.idx.msk [tilespmem:v2+s3+$0x0], $0xffff;
	[tilespmem:s2+$0xA110] =	vst v12  }
0x132: {  	v4 =	vld.idx.msk [tilespmem:v9+s16+$0x0], $0xffff;
	[tilespmem:s2+$0xA190] =	vst v13  }
.LBB2_10:
0x133: {  	s0 =	sadd.s32 $0x8, s0;
	[tilespmem:s2+$0xA120] =	vst v8;
	v2 =	vld.idx.msk [tilespmem:v2+s16+$0x0], $0xffff  }
0x134: {  	s1 =	sand.u32 $0x18, s0;
	s4 =	sshll.u32 s0, $0x4;
	p0 =	slt.u32 s0, $0x4F8;
	v8 =	vld.idx.msk [tilespmem:v1+s3+$0x0], $0xffff;
	[tilespmem:s2+$0xA170] =	vst v6  }
0x135: {  	s7 =	sshll.u32 s0, $0x2;
	s4 =	sand.u32 $0x7000, s4;
	s8 =	sshll.u32 s1, $0x7;
	[tilespmem:s2+$0xA1A0] =	vst v7;
	v1 =	vld.idx.msk [tilespmem:v1+s16+$0x0], $0xffff  }
0x136: {  	s7 =	sand.u32 $0x380, s7;
	s4 =	sor.u32 s8, s4;
	[tilespmem:s2+$0xA130] =	vst v5;
	v5 =	vld.idx.msk [tilespmem:v0+s3+$0x0], $0xffff  }
0x137: {  	s4 =	sor.u32 s4, s7;
	[tilespmem:s2+$0xA1B0] =	vst v4;
	v0 =	vld.idx.msk [tilespmem:v0+s16+$0x0], $0xffff  }
0x138: {  	v4 =	vld [tilespmem:s4+$0x170];
	[tilespmem:s2+$0xA140] =	vst v3  }
0x139: {  	v3 =	vld [tilespmem:s4+$0x100];
	[tilespmem:s2+$0xA1C0] =	vst v2  }
0x13a: {  	v6 =	vld [tilespmem:s4+$0x110];
	[tilespmem:s2+$0xA150] =	vst v8  }
0x13b: {  	v7 =	vld [tilespmem:s4+$0x120];
	[tilespmem:s2+$0xA1D0] =	vst v1  }
0x13c: {  	v9 =	vld [tilespmem:s4+$0x130];
	[tilespmem:s2+$0xA160] =	vst v5  }
0x13d: {  	v2 =	vld [tilespmem:s4+$0x140];
	[tilespmem:s2+$0xA1E0] =	vst v0  }
0x13e: {  	v1 =	vld [tilespmem:s4+$0x150]  }
0x13f: {  	v0 =	vld [tilespmem:s4+$0x160]  }
0x140: {  	v5 =	vld.idx.msk [tilespmem:v4+s16+$0x0], $0xffff  }
0x141: {  	v10 =	vld.idx.msk [tilespmem:v3+s3+$0x0], $0xffff  }
0x142: {  	v3 =	vld.idx.msk [tilespmem:v3+s16+$0x0], $0xffff  }
0x143: {  	s2 =	sshll.u32 s0, $0x5;
	v11 =	vld.idx.msk [tilespmem:v6+s3+$0x0], $0xffff  }
0x144: {  	s1 =	sshll.u32 s1, $0x5;
	s2 =	sand.u32 $0x3FFFFC00, s2;
	v12 =	vld.idx.msk [tilespmem:v6+s16+$0x0], $0xffff  }
0x145: {  	s2 =	sor.u32 s1, s2;
	v8 =	vld.idx.msk [tilespmem:v7+s3+$0x0], $0xffff  }
.Ltmp4:
0x146: {  	v6 =	vld.idx.msk [tilespmem:v4+s3+$0x0], $0xffff;
	[tilespmem:s2+$0xA1F0] =	vst v5;
	(pc) =	sbr.rel @p0 .LBB2_10-.Ltmp4, $4  }
0x147: {  	[tilespmem:s2+$0xA100] =	vst v10;
	v7 =	vld.idx.msk [tilespmem:v7+s16+$0x0], $0xffff  }
0x148: {  	[tilespmem:s2+$0xA180] =	vst v3;
	v5 =	vld.idx.msk [tilespmem:v9+s3+$0x0], $0xffff  }
0x149: {  	[tilespmem:s2+$0xA110] =	vst v11;
	v4 =	vld.idx.msk [tilespmem:v9+s16+$0x0], $0xffff  }
0x14a: {  	[tilespmem:s2+$0xA190] =	vst v12;
	v3 =	vld.idx.msk [tilespmem:v2+s3+$0x0], $0xffff  }
0x14b: {  	_ =	sdelay $0x2  }
0x14c: {  	[tilespmem:s2+$0xA120] =	vst v8  }
0x14d: {  	v2 =	vld.idx.msk [tilespmem:v2+s16+$0x0], $0xffff;
	[tilespmem:s2+$0xA170] =	vst v6  }
0x14e: {  	v60 =	vld.idx.msk [tilespmem:v1+s3+$0x0], $0xffff;
	[tilespmem:s2+$0xA1A0] =	vst v7  }
0x14f: {  	v61 =	vld.idx.msk [tilespmem:v1+s16+$0x0], $0xffff;
	[tilespmem:s2+$0xA130] =	vst v5  }
0x150: {  	v62 =	vld.idx.msk [tilespmem:v0+s3+$0x0], $0xffff;
	[tilespmem:s2+$0xA1B0] =	vst v4  }
0x151: {  	v63 =	vld.idx.msk [tilespmem:v0+s16+$0x0], $0xffff;
	[tilespmem:s2+$0xA140] =	vst v3  }
0x152: {  	[tilespmem:s2+$0xA1C0] =	vst v2  }
0x153: {  	[tilespmem:s2+$0xA150] =	vst v60  }
0x154: {  	[tilespmem:s2+$0xA1D0] =	vst v61  }
0x155: {  	[tilespmem:s2+$0xA160] =	vst v62  }
0x156: {  	s31 =	sadd.s32 $0x1, s31;
	[tilespmem:s2+$0xA1E0] =	vst v63  }
0x157: {  	[hbm4b:s14+s23] =	stream.strided.scatter [tilespmem:s25], [sflag:$0x3], $0xA000, s24, s23, $0x38;
	[tilespmem:$0x1E100] =	vst v63  }
0x158: {  	p0 =	sne.s32 s31, s15;
	_ =	swait.ge [sflag:s30], $0xA000  }
.Ltmp5:
0x159: {  	[sflag:s30] =	ssyncset.done $0x0;
	(pc) =	sbr.rel @p0 .LBB2_1-.Ltmp5, $4  }
0x15a: {  	[sflag:s30] =	ssyncadd.s32 $0xFFFF6000  }
0x15b: {  	_ =	swait.ge [sflag:s29], $0xA000  }
0x15c: {  	[sflag:s29] =	ssyncset.done $0x0  }
0x15d: {  	[sflag:s29] =	ssyncadd.s32 $0xFFFF6000  }
0x15e: {  	_ =	sfence.sel $0x180000  }
0x15f: {  	[bflag:$0x0] =	sbarrier.arrive $0xFFFF  }
0x160: {  	_ =	strace $0x90000047  }
0x161: {  	s0 =	stileid.u32;
	[bflag:$0x2] =	sbarrier.arrive $0xFFFF  }
0x162: {  	p0 =	sne.s32 s0, $0x0;
	s0 =	rddreg [dreg:$0x3]  }
0x163: {  	s0 =	sadd.s32 @!p0 $0x100000, s0  }
0x164: {  	[sflag:s0] =	ssyncadd.tile.s32 @!p0 $0x1;
	_ =	shalt  }
.Lfunc_end2:
_tile_overlayer_lowered:
.L_overlay_start_2:
0x165: {  	(tag) =	ssettag $0x2  }
0x166: {  	s0 =	rddreg [dreg:$0x0];
	s2 =	stileid.u32  }
0x167: {  	s1 =	rddreg [dreg:$0x1];
	p0 =	sne.s32 s2, $0x0  }
0x168: {  	s3 =	rddreg [dreg:$0x2];
	[bflag:$0x3] =	sbarrier.arrive $0xFFFF;
	s2 =	simm.s32 @!p0 $0x1C06  }
0x169: {  	[timem:s3], [sflag:s2] =	dma.local @!p0 [hbm:s0], s1  }
0x16a: {  	s0 =	simm.s32 @!p0 $0x6  }
0x16b: {  	_ =	swait.ge @!p0 [sflag:s0], s1  }
0x16c: {  	s1 =	ssub.s32 @!p0 $0x0, s1;
	[sflag:s0] =	ssyncset.done @!p0 $0x0  }
0x16d: {  	[sflag:s0] =	ssyncadd.s32 @!p0 s1  }
0x16e: {  	[bflag:$0x3] =	sbarrier.arrive $0xFFFF  }
0x16f: {  	_ =	shalt  }

</sc_bundles>
